<compile_context>
chip_gen: v7x
topology: tpu7x:2x2x1
jax: 0.10.2.dev20260603
libtpu: 0.0.44.dev20260713+nightly
codegen_flags: <defaults>
</compile_context>

<pallas_src>
import jax
import jax.numpy as jnp
from jax import lax
from jax.experimental import pallas as pl
from jax.experimental.pallas import tpu as pltpu
from jax.experimental.pallas import tpu_sc as plsc

NC = 2
NS = 16
NW = NC * NS
LANES = 16
NBUF = 4

B, L, D = 4096, 200, 64
FLAT = B * L
PER_W = FLAT // NW
SUB = 100
SPC = 2
CHUNK = SUB * SPC
NCHUNK = PER_W // CHUNK
NMAIN = (NCHUNK // NBUF) * NBUF


def _sc_body(table_hbm, idx_hbm, pos_hbm, out_hbm,
             idx_v, pos_v, rows_v, *sems):
    wid = lax.axis_index("s") * NC + lax.axis_index("c")
    pltpu.sync_copy(idx_hbm.at[wid], idx_v)
    pltpu.sync_copy(pos_hbm, pos_v)

    out_base = wid * NCHUNK
    sem_g = sems[:NBUF]
    sem_w = sems[NBUF:]

    def gather(k, b, op):
        for j in range(SPC):
            cp = pltpu.make_async_copy(
                table_hbm.at[idx_v.at[k * SPC + j]],
                rows_v.at[b, pl.ds(j * SUB, SUB)], sem_g[b])
            getattr(cp, op)()

    def write(k, b, op):
        cp = pltpu.make_async_copy(
            rows_v.at[b], out_hbm.at[out_base + k, :, pl.ds(0, D)], sem_w[b])
        getattr(cp, op)()

    def add_pos(b):
        @pl.loop(0, CHUNK)
        def _row(r):
            for k in range(D // LANES):
                plsc.addupdate(
                    rows_v.at[b, r, pl.ds(k * LANES, LANES)],
                    pos_v[r, pl.ds(k * LANES, LANES)])

    gather(0, 0, "start")
    gather(1, 1, "start")

    @pl.loop(0, NMAIN, step=NBUF)
    def _ring(c0):
        for i in range(NBUF):
            k = c0 + i
            b = i
            @pl.when(k >= 2)
            def _(k=k, b=b):
                write(k, (b + 2) % NBUF, "wait")
            @pl.when(k < NCHUNK - 2)
            def _(k=k, b=b):
                gather(k + 2, (b + 2) % NBUF, "start")
            gather(k, b, "wait")
            add_pos(b)
            write(k, b, "start")

    for k in range(NCHUNK - 2, NCHUNK):
        write(k, k % NBUF, "wait")


_sc_gather_add = pl.kernel(
    _sc_body,
    out_type=jax.ShapeDtypeStruct((B, L, 2 * D), jnp.float32),
    mesh=plsc.VectorSubcoreMesh(core_axis_name="c", subcore_axis_name="s"),
    scratch_types=[
        pltpu.VMEM((NCHUNK * SPC, SUB), jnp.int32),
        pltpu.VMEM((CHUNK, D), jnp.float32),
        pltpu.VMEM((NBUF, CHUNK, D), jnp.float32),
    ] + [pltpu.SemaphoreType.DMA] * (2 * NBUF),
    compiler_params=pltpu.CompilerParams(use_tc_tiling_on_sc=False),
)


@jax.jit
def kernel(x, item_table, pos_table):
    idx = x.reshape(NW, NCHUNK * SPC, SUB)
    pos = pos_table[1:L + 1]
    out5 = _sc_gather_add(item_table, idx, pos)
    return out5[:, :, :D]

# --- scband reference (transcript-rebuilt; emitter-appended) ---
"""Pipeline reference for scband-bert4-rec-84293028152082 (READ-ONLY COPY).

The authoritative reference and input builder live on the scoring server;
editing this copy changes nothing except your own understanding.
"""

import jax, jax.numpy as jnp
import numpy as np

VOCAB_SIZE = 1000000
EMB_DIM = 64
MAX_LEN = 200
BATCH = 4096
SEQ_LEN = 200

def setup_inputs(seed: int = 0) -> dict:
    key = jax.random.key(seed)
    k1, k2, k3 = jax.random.split(key, 3)
    x = jax.random.randint(k1, (BATCH, SEQ_LEN), 0, VOCAB_SIZE, dtype=jnp.int32)
    item_table = jax.random.normal(k2, (VOCAB_SIZE, EMB_DIM), dtype=jnp.float32) * 0.02
    pos_table = jax.random.normal(k3, (MAX_LEN + 1, EMB_DIM), dtype=jnp.float32) * 0.02
    return {"x": x, "item_table": item_table, "pos_table": pos_table}

def reference(x, item_table, pos_table):
    # item embedding lookup (gather)
    item_emb = jnp.take(item_table, x, axis=0)  # [B, L, D]
    L = x.shape[1]
    # torch.range(1, L) produces values 1..L inclusive, broadcast over batch
    pos_idx = jnp.arange(1, L + 1, dtype=jnp.int32)  # [L]
    pos_emb = jnp.take(pos_table, pos_idx, axis=0)  # [L, D]
    out = item_emb + pos_emb[None, :, :]
    return out

if __name__ == "__main__":
    import jax
    _d = setup_inputs()
    print(jax.jit(kernel)(*tuple(_d.values())))

</pallas_src>

<mosaic_0001>
#map = affine_map<(d0, d1) -> (0, 0)>
#map1 = affine_map<(d0, d1) -> (0, 0, 0)>
module attributes {stable_mosaic.version = 14 : i64} {
  func.func @_sc_body(%arg0: i32, %arg1: i32, %arg2: memref<1000000x64xf32, #tpu.memory_space<hbm>>, %arg3: memref<32x256x100xi32, #tpu.memory_space<hbm>>, %arg4: memref<200x64xf32, #tpu.memory_space<hbm>>, %arg5: memref<4096x200x128xf32, #tpu.memory_space<hbm>>, %arg6: memref<256x100xi32, #tpu.memory_space<vmem>>, %arg7: memref<200x64xf32, #tpu.memory_space<vmem>>, %arg8: memref<4x200x64xf32, #tpu.memory_space<vmem>>, %arg9: memref<!tpu.dma_semaphore, #tpu.memory_space<semaphore_mem>>, %arg10: memref<!tpu.dma_semaphore, #tpu.memory_space<semaphore_mem>>, %arg11: memref<!tpu.dma_semaphore, #tpu.memory_space<semaphore_mem>>, %arg12: memref<!tpu.dma_semaphore, #tpu.memory_space<semaphore_mem>>, %arg13: memref<!tpu.dma_semaphore, #tpu.memory_space<semaphore_mem>>, %arg14: memref<!tpu.dma_semaphore, #tpu.memory_space<semaphore_mem>>, %arg15: memref<!tpu.dma_semaphore, #tpu.memory_space<semaphore_mem>>, %arg16: memref<!tpu.dma_semaphore, #tpu.memory_space<semaphore_mem>>) attributes {dimension_semantics = [#tpu.dimension_semantics<core_parallel>, #tpu.dimension_semantics<subcore_parallel>], iteration_bounds = array<i64: 2, 16>, scalar_prefetch = 0 : i64, scratch_operands = 11 : i64, tpu.core_type = #tpu.core_type<sc_vector_subcore>, window_params = [{transform_indices = #map}, {transform_indices = #map1}, {transform_indices = #map}, {transform_indices = #map1}]} {
    %mul3A = arith.constant 2 : i32
    %mul3A_0 = arith.muli %arg1, %mul3A : i32
    %add3A = arith.addi %mul3A_0, %arg0 : i32
    "tpu.region"() ({
      %run_scoped3A = tpu.sem_alloc : memref<!tpu.dma_semaphore, #tpu.memory_space<semaphore_mem>>
      %dma_start3A_91 = arith.constant 0 : i32
      %dma_start3A_92 = arith.constant 0 : i32
      %dma_start3A_93 = tpu.memref_slice %arg3[%add3A, %dma_start3A_91, %dma_start3A_92] : memref<32x256x100xi32, #tpu.memory_space<hbm>> -> memref<1x256x100xi32, #tpu.memory_space<hbm>>
      %dma_start3A_94 = tpu.memref_squeeze %dma_start3A_93 : memref<1x256x100xi32, #tpu.memory_space<hbm>> -> memref<256x100xi32, #tpu.memory_space<hbm>>
      %dma_start3A_95 = arith.constant 0 : i32
      %dma_start3A_96 = arith.constant 0 : i32
      %dma_start3A_97 = tpu.memref_slice %arg3[%add3A, %dma_start3A_95, %dma_start3A_96] : memref<32x256x100xi32, #tpu.memory_space<hbm>> -> memref<1x256x100xi32, #tpu.memory_space<hbm>>
      %dma_start3A_98 = tpu.memref_squeeze %dma_start3A_97 : memref<1x256x100xi32, #tpu.memory_space<hbm>> -> memref<256x100xi32, #tpu.memory_space<hbm>>
      tpu.enqueue_dma source(%dma_start3A_98 : memref<256x100xi32, #tpu.memory_space<hbm>>) target(%arg6 : memref<256x100xi32, #tpu.memory_space<vmem>>) target_semaphore(%run_scoped3A : memref<!tpu.dma_semaphore, #tpu.memory_space<semaphore_mem>>)
      %dma_wait3A_99 = arith.constant 0 : i32
      %dma_wait3A_100 = arith.constant 0 : i32
      %dma_wait3A_101 = tpu.memref_slice %arg3[%add3A, %dma_wait3A_99, %dma_wait3A_100] : memref<32x256x100xi32, #tpu.memory_space<hbm>> -> memref<1x256x100xi32, #tpu.memory_space<hbm>>
      %dma_wait3A_102 = tpu.memref_squeeze %dma_wait3A_101 : memref<1x256x100xi32, #tpu.memory_space<hbm>> -> memref<256x100xi32, #tpu.memory_space<hbm>>
      %dma_wait3A_103 = arith.constant 0 : i32
      %dma_wait3A_104 = arith.constant 0 : i32
      %dma_wait3A_105 = tpu.memref_slice %arg3[%add3A, %dma_wait3A_103, %dma_wait3A_104] : memref<32x256x100xi32, #tpu.memory_space<hbm>> -> memref<1x256x100xi32, #tpu.memory_space<hbm>>
      %dma_wait3A_106 = tpu.memref_squeeze %dma_wait3A_105 : memref<1x256x100xi32, #tpu.memory_space<hbm>> -> memref<256x100xi32, #tpu.memory_space<hbm>>
      tpu.wait_dma2 semaphore(%run_scoped3A : memref<!tpu.dma_semaphore, #tpu.memory_space<semaphore_mem>>) src(%dma_wait3A_106 : memref<256x100xi32, #tpu.memory_space<hbm>>) dst(%arg6 : memref<256x100xi32, #tpu.memory_space<vmem>>)
      tpu.yield
    }) : () -> ()
    "tpu.region"() ({
      %run_scoped3A = tpu.sem_alloc : memref<!tpu.dma_semaphore, #tpu.memory_space<semaphore_mem>>
      tpu.enqueue_dma source(%arg4 : memref<200x64xf32, #tpu.memory_space<hbm>>) target(%arg7 : memref<200x64xf32, #tpu.memory_space<vmem>>) target_semaphore(%run_scoped3A : memref<!tpu.dma_semaphore, #tpu.memory_space<semaphore_mem>>)
      tpu.wait_dma2 semaphore(%run_scoped3A : memref<!tpu.dma_semaphore, #tpu.memory_space<semaphore_mem>>) src(%arg4 : memref<200x64xf32, #tpu.memory_space<hbm>>) dst(%arg7 : memref<200x64xf32, #tpu.memory_space<vmem>>)
      tpu.yield
    }) : () -> ()
    %mul3A_1 = arith.constant 128 : i32
    %mul3A_2 = arith.muli %add3A, %mul3A_1 : i32
    %dma_start3A = arith.constant 0 : i32
    %dma_start3A_3 = arith.constant 0 : i32
    %dma_start3A_4 = arith.constant 0 : i32
    %dma_start3A_5 = arith.constant 0 : i32
    %dma_start3A_6 = tpu.memref_slice %arg8[%dma_start3A_3, %dma_start3A_4, %dma_start3A_5] : memref<4x200x64xf32, #tpu.memory_space<vmem>> -> memref<1x100x64xf32, #tpu.memory_space<vmem>>
    %dma_start3A_7 = tpu.memref_squeeze %dma_start3A_6 : memref<1x100x64xf32, #tpu.memory_space<vmem>> -> memref<100x64xf32, #tpu.memory_space<vmem>>
    %dma_start3A_8 = arith.constant 0 : i32
    %dma_start3A_9 = tpu.memref_slice %arg6[%dma_start3A, %dma_start3A_8] : memref<256x100xi32, #tpu.memory_space<vmem>> -> memref<1x100xi32, #tpu.memory_space<vmem>>
    %dma_start3A_10 = tpu.memref_squeeze %dma_start3A_9 : memref<1x100xi32, #tpu.memory_space<vmem>> -> memref<100xi32, #tpu.memory_space<vmem>>
    %dma_start3A_11 = arith.constant 0 : i32
    %dma_start3A_12 = arith.constant 0 : i32
    %dma_start3A_13 = tpu.memref_slice %arg2[%dma_start3A_11, %dma_start3A_12] : memref<1000000x64xf32, #tpu.memory_space<hbm>> -> memref<1000000x64xf32, #tpu.memory_space<hbm>>
    tpu.enqueue_indirect_dma source(%dma_start3A_13 : memref<1000000x64xf32, #tpu.memory_space<hbm>>) target(%dma_start3A_7 : memref<100x64xf32, #tpu.memory_space<vmem>>) offsets(%dma_start3A_10 : memref<100xi32, #tpu.memory_space<vmem>>) semaphore(%arg9 : memref<!tpu.dma_semaphore, #tpu.memory_space<semaphore_mem>>)
    %dma_start3A_14 = arith.constant 1 : i32
    %dma_start3A_15 = arith.constant 0 : i32
    %dma_start3A_16 = arith.constant 100 : i32
    %dma_start3A_17 = arith.constant 0 : i32
    %dma_start3A_18 = tpu.memref_slice %arg8[%dma_start3A_15, %dma_start3A_16, %dma_start3A_17] : memref<4x200x64xf32, #tpu.memory_space<vmem>> -> memref<1x100x64xf32, #tpu.memory_space<vmem>>
    %dma_start3A_19 = tpu.memref_squeeze %dma_start3A_18 : memref<1x100x64xf32, #tpu.memory_space<vmem>> -> memref<100x64xf32, #tpu.memory_space<vmem>>
    %dma_start3A_20 = arith.constant 0 : i32
    %dma_start3A_21 = tpu.memref_slice %arg6[%dma_start3A_14, %dma_start3A_20] : memref<256x100xi32, #tpu.memory_space<vmem>> -> memref<1x100xi32, #tpu.memory_space<vmem>>
    %dma_start3A_22 = tpu.memref_squeeze %dma_start3A_21 : memref<1x100xi32, #tpu.memory_space<vmem>> -> memref<100xi32, #tpu.memory_space<vmem>>
    %dma_start3A_23 = arith.constant 0 : i32
    %dma_start3A_24 = arith.constant 0 : i32
    %dma_start3A_25 = tpu.memref_slice %arg2[%dma_start3A_23, %dma_start3A_24] : memref<1000000x64xf32, #tpu.memory_space<hbm>> -> memref<1000000x64xf32, #tpu.memory_space<hbm>>
    tpu.enqueue_indirect_dma source(%dma_start3A_25 : memref<1000000x64xf32, #tpu.memory_space<hbm>>) target(%dma_start3A_19 : memref<100x64xf32, #tpu.memory_space<vmem>>) offsets(%dma_start3A_22 : memref<100xi32, #tpu.memory_space<vmem>>) semaphore(%arg9 : memref<!tpu.dma_semaphore, #tpu.memory_space<semaphore_mem>>)
    %dma_start3A_26 = arith.constant 2 : i32
    %dma_start3A_27 = arith.constant 1 : i32
    %dma_start3A_28 = arith.constant 0 : i32
    %dma_start3A_29 = arith.constant 0 : i32
    %dma_start3A_30 = tpu.memref_slice %arg8[%dma_start3A_27, %dma_start3A_28, %dma_start3A_29] : memref<4x200x64xf32, #tpu.memory_space<vmem>> -> memref<1x100x64xf32, #tpu.memory_space<vmem>>
    %dma_start3A_31 = tpu.memref_squeeze %dma_start3A_30 : memref<1x100x64xf32, #tpu.memory_space<vmem>> -> memref<100x64xf32, #tpu.memory_space<vmem>>
    %dma_start3A_32 = arith.constant 0 : i32
    %dma_start3A_33 = tpu.memref_slice %arg6[%dma_start3A_26, %dma_start3A_32] : memref<256x100xi32, #tpu.memory_space<vmem>> -> memref<1x100xi32, #tpu.memory_space<vmem>>
    %dma_start3A_34 = tpu.memref_squeeze %dma_start3A_33 : memref<1x100xi32, #tpu.memory_space<vmem>> -> memref<100xi32, #tpu.memory_space<vmem>>
    %dma_start3A_35 = arith.constant 0 : i32
    %dma_start3A_36 = arith.constant 0 : i32
    %dma_start3A_37 = tpu.memref_slice %arg2[%dma_start3A_35, %dma_start3A_36] : memref<1000000x64xf32, #tpu.memory_space<hbm>> -> memref<1000000x64xf32, #tpu.memory_space<hbm>>
    tpu.enqueue_indirect_dma source(%dma_start3A_37 : memref<1000000x64xf32, #tpu.memory_space<hbm>>) target(%dma_start3A_31 : memref<100x64xf32, #tpu.memory_space<vmem>>) offsets(%dma_start3A_34 : memref<100xi32, #tpu.memory_space<vmem>>) semaphore(%arg10 : memref<!tpu.dma_semaphore, #tpu.memory_space<semaphore_mem>>)
    %dma_start3A_38 = arith.constant 3 : i32
    %dma_start3A_39 = arith.constant 1 : i32
    %dma_start3A_40 = arith.constant 100 : i32
    %dma_start3A_41 = arith.constant 0 : i32
    %dma_start3A_42 = tpu.memref_slice %arg8[%dma_start3A_39, %dma_start3A_40, %dma_start3A_41] : memref<4x200x64xf32, #tpu.memory_space<vmem>> -> memref<1x100x64xf32, #tpu.memory_space<vmem>>
    %dma_start3A_43 = tpu.memref_squeeze %dma_start3A_42 : memref<1x100x64xf32, #tpu.memory_space<vmem>> -> memref<100x64xf32, #tpu.memory_space<vmem>>
    %dma_start3A_44 = arith.constant 0 : i32
    %dma_start3A_45 = tpu.memref_slice %arg6[%dma_start3A_38, %dma_start3A_44] : memref<256x100xi32, #tpu.memory_space<vmem>> -> memref<1x100xi32, #tpu.memory_space<vmem>>
    %dma_start3A_46 = tpu.memref_squeeze %dma_start3A_45 : memref<1x100xi32, #tpu.memory_space<vmem>> -> memref<100xi32, #tpu.memory_space<vmem>>
    %dma_start3A_47 = arith.constant 0 : i32
    %dma_start3A_48 = arith.constant 0 : i32
    %dma_start3A_49 = tpu.memref_slice %arg2[%dma_start3A_47, %dma_start3A_48] : memref<1000000x64xf32, #tpu.memory_space<hbm>> -> memref<1000000x64xf32, #tpu.memory_space<hbm>>
    tpu.enqueue_indirect_dma source(%dma_start3A_49 : memref<1000000x64xf32, #tpu.memory_space<hbm>>) target(%dma_start3A_43 : memref<100x64xf32, #tpu.memory_space<vmem>>) offsets(%dma_start3A_46 : memref<100xi32, #tpu.memory_space<vmem>>) semaphore(%arg10 : memref<!tpu.dma_semaphore, #tpu.memory_space<semaphore_mem>>)
    %scan3A = arith.constant 0 : i32
    %scan3A_50 = arith.constant 32 : i32
    %scan3A_51 = arith.addi %scan3A, %scan3A_50 : i32
    %scan3A_52 = arith.constant 1 : i32
    scf.for %scan3A_91 = %scan3A to %scan3A_51 step %scan3A_52  : i32 {
      %mul3A_92 = arith.constant 4 : i32
      %mul3A_93 = arith.muli %scan3A_91, %mul3A_92 : i32
      %add3A_94 = arith.constant 0 : i32
      %add3A_95 = arith.addi %add3A_94, %mul3A_93 : i32
      %add3A_96 = arith.constant 0 : i32
      %add3A_97 = arith.addi %add3A_95, %add3A_96 : i32
      %ge3A = arith.constant 2 : i32
      %ge3A_98 = arith.cmpi sge, %add3A_97, %ge3A : i32
      %convert_element_type3A = arith.extui %ge3A_98 : i1 to i32
      %cond3A = arith.constant 0 : i32
      %cond3A_99 = arith.cmpi ne, %convert_element_type3A, %cond3A : i32
      scf.if %cond3A_99 {
        %add3A_352 = arith.addi %mul3A_2, %add3A_97 : i32
        %dma_wait3A_353 = arith.constant 2 : i32
        %dma_wait3A_354 = arith.constant 0 : i32
        %dma_wait3A_355 = arith.constant 0 : i32
        %dma_wait3A_356 = tpu.memref_slice %arg8[%dma_wait3A_353, %dma_wait3A_354, %dma_wait3A_355] : memref<4x200x64xf32, #tpu.memory_space<vmem>> -> memref<1x200x64xf32, #tpu.memory_space<vmem>>
        %dma_wait3A_357 = tpu.memref_squeeze %dma_wait3A_356 : memref<1x200x64xf32, #tpu.memory_space<vmem>> -> memref<200x64xf32, #tpu.memory_space<vmem>>
        %dma_wait3A_358 = arith.constant 0 : i32
        %dma_wait3A_359 = arith.constant 0 : i32
        %dma_wait3A_360 = tpu.memref_slice %arg5[%add3A_352, %dma_wait3A_358, %dma_wait3A_359] : memref<4096x200x128xf32, #tpu.memory_space<hbm>> -> memref<1x200x64xf32, #tpu.memory_space<hbm>>
        %dma_wait3A_361 = tpu.memref_squeeze %dma_wait3A_360 : memref<1x200x64xf32, #tpu.memory_space<hbm>> -> memref<200x64xf32, #tpu.memory_space<hbm>>
        %dma_wait3A_362 = arith.constant 0 : i32
        %dma_wait3A_363 = arith.constant 0 : i32
        %dma_wait3A_364 = tpu.memref_slice %arg5[%add3A_352, %dma_wait3A_362, %dma_wait3A_363] : memref<4096x200x128xf32, #tpu.memory_space<hbm>> -> memref<1x200x64xf32, #tpu.memory_space<hbm>>
        %dma_wait3A_365 = tpu.memref_squeeze %dma_wait3A_364 : memref<1x200x64xf32, #tpu.memory_space<hbm>> -> memref<200x64xf32, #tpu.memory_space<hbm>>
        %dma_wait3A_366 = arith.constant 0 : i32
        %dma_wait3A_367 = arith.constant 0 : i32
        %dma_wait3A_368 = tpu.memref_slice %arg8[%dma_wait3A_353, %dma_wait3A_366, %dma_wait3A_367] : memref<4x200x64xf32, #tpu.memory_space<vmem>> -> memref<1x200x64xf32, #tpu.memory_space<vmem>>
        %dma_wait3A_369 = tpu.memref_squeeze %dma_wait3A_368 : memref<1x200x64xf32, #tpu.memory_space<vmem>> -> memref<200x64xf32, #tpu.memory_space<vmem>>
        tpu.wait_dma2 semaphore(%arg15 : memref<!tpu.dma_semaphore, #tpu.memory_space<semaphore_mem>>) src(%dma_wait3A_369 : memref<200x64xf32, #tpu.memory_space<vmem>>) dst(%dma_wait3A_365 : memref<200x64xf32, #tpu.memory_space<hbm>>)
      } else {
      }
      %lt3A = arith.constant 126 : i32
      %lt3A_100 = arith.cmpi slt, %add3A_97, %lt3A : i32
      %convert_element_type3A_101 = arith.extui %lt3A_100 : i1 to i32
      %cond3A_102 = arith.constant 0 : i32
      %cond3A_103 = arith.cmpi ne, %convert_element_type3A_101, %cond3A_102 : i32
      scf.if %cond3A_103 {
        %add3A_352 = arith.constant 2 : i32
        %add3A_353 = arith.addi %add3A_97, %add3A_352 : i32
        %mul3A_354 = arith.constant 2 : i32
        %mul3A_355 = arith.muli %add3A_353, %mul3A_354 : i32
        %add3A_356 = arith.constant 0 : i32
        %add3A_357 = arith.addi %mul3A_355, %add3A_356 : i32
        %dma_start3A_358 = arith.constant 2 : i32
        %dma_start3A_359 = arith.constant 0 : i32
        %dma_start3A_360 = arith.constant 0 : i32
        %dma_start3A_361 = tpu.memref_slice %arg8[%dma_start3A_358, %dma_start3A_359, %dma_start3A_360] : memref<4x200x64xf32, #tpu.memory_space<vmem>> -> memref<1x100x64xf32, #tpu.memory_space<vmem>>
        %dma_start3A_362 = tpu.memref_squeeze %dma_start3A_361 : memref<1x100x64xf32, #tpu.memory_space<vmem>> -> memref<100x64xf32, #tpu.memory_space<vmem>>
        %dma_start3A_363 = arith.constant 0 : i32
        %dma_start3A_364 = tpu.memref_slice %arg6[%add3A_357, %dma_start3A_363] : memref<256x100xi32, #tpu.memory_space<vmem>> -> memref<1x100xi32, #tpu.memory_space<vmem>>
        %dma_start3A_365 = tpu.memref_squeeze %dma_start3A_364 : memref<1x100xi32, #tpu.memory_space<vmem>> -> memref<100xi32, #tpu.memory_space<vmem>>
        %dma_start3A_366 = arith.constant 0 : i32
        %dma_start3A_367 = arith.constant 0 : i32
        %dma_start3A_368 = tpu.memref_slice %arg2[%dma_start3A_366, %dma_start3A_367] : memref<1000000x64xf32, #tpu.memory_space<hbm>> -> memref<1000000x64xf32, #tpu.memory_space<hbm>>
        tpu.enqueue_indirect_dma source(%dma_start3A_368 : memref<1000000x64xf32, #tpu.memory_space<hbm>>) target(%dma_start3A_362 : memref<100x64xf32, #tpu.memory_space<vmem>>) offsets(%dma_start3A_365 : memref<100xi32, #tpu.memory_space<vmem>>) semaphore(%arg11 : memref<!tpu.dma_semaphore, #tpu.memory_space<semaphore_mem>>)
        %mul3A_369 = arith.constant 2 : i32
        %mul3A_370 = arith.muli %add3A_353, %mul3A_369 : i32
        %add3A_371 = arith.constant 1 : i32
        %add3A_372 = arith.addi %mul3A_370, %add3A_371 : i32
        %dma_start3A_373 = arith.constant 2 : i32
        %dma_start3A_374 = arith.constant 100 : i32
        %dma_start3A_375 = arith.constant 0 : i32
        %dma_start3A_376 = tpu.memref_slice %arg8[%dma_start3A_373, %dma_start3A_374, %dma_start3A_375] : memref<4x200x64xf32, #tpu.memory_space<vmem>> -> memref<1x100x64xf32, #tpu.memory_space<vmem>>
        %dma_start3A_377 = tpu.memref_squeeze %dma_start3A_376 : memref<1x100x64xf32, #tpu.memory_space<vmem>> -> memref<100x64xf32, #tpu.memory_space<vmem>>
        %dma_start3A_378 = arith.constant 0 : i32
        %dma_start3A_379 = tpu.memref_slice %arg6[%add3A_372, %dma_start3A_378] : memref<256x100xi32, #tpu.memory_space<vmem>> -> memref<1x100xi32, #tpu.memory_space<vmem>>
        %dma_start3A_380 = tpu.memref_squeeze %dma_start3A_379 : memref<1x100xi32, #tpu.memory_space<vmem>> -> memref<100xi32, #tpu.memory_space<vmem>>
        %dma_start3A_381 = arith.constant 0 : i32
        %dma_start3A_382 = arith.constant 0 : i32
        %dma_start3A_383 = tpu.memref_slice %arg2[%dma_start3A_381, %dma_start3A_382] : memref<1000000x64xf32, #tpu.memory_space<hbm>> -> memref<1000000x64xf32, #tpu.memory_space<hbm>>
        tpu.enqueue_indirect_dma source(%dma_start3A_383 : memref<1000000x64xf32, #tpu.memory_space<hbm>>) target(%dma_start3A_377 : memref<100x64xf32, #tpu.memory_space<vmem>>) offsets(%dma_start3A_380 : memref<100xi32, #tpu.memory_space<vmem>>) semaphore(%arg11 : memref<!tpu.dma_semaphore, #tpu.memory_space<semaphore_mem>>)
      } else {
      }
      %mul3A_104 = arith.constant 2 : i32
      %mul3A_105 = arith.muli %add3A_97, %mul3A_104 : i32
      %add3A_106 = arith.constant 0 : i32
      %add3A_107 = arith.addi %mul3A_105, %add3A_106 : i32
      %dma_wait3A_108 = arith.constant 0 : i32
      %dma_wait3A_109 = arith.constant 0 : i32
      %dma_wait3A_110 = arith.constant 0 : i32
      %dma_wait3A_111 = tpu.memref_slice %arg8[%dma_wait3A_108, %dma_wait3A_109, %dma_wait3A_110] : memref<4x200x64xf32, #tpu.memory_space<vmem>> -> memref<1x100x64xf32, #tpu.memory_space<vmem>>
      %dma_wait3A_112 = tpu.memref_squeeze %dma_wait3A_111 : memref<1x100x64xf32, #tpu.memory_space<vmem>> -> memref<100x64xf32, #tpu.memory_space<vmem>>
      %dma_wait3A_113 = arith.constant 0 : i32
      %dma_wait3A_114 = tpu.memref_slice %arg6[%add3A_107, %dma_wait3A_113] : memref<256x100xi32, #tpu.memory_space<vmem>> -> memref<1x100xi32, #tpu.memory_space<vmem>>
      %dma_wait3A_115 = tpu.memref_squeeze %dma_wait3A_114 : memref<1x100xi32, #tpu.memory_space<vmem>> -> memref<100xi32, #tpu.memory_space<vmem>>
      %dma_wait3A_116 = arith.constant 0 : i32
      %dma_wait3A_117 = arith.constant 0 : i32
      %dma_wait3A_118 = tpu.memref_slice %arg2[%dma_wait3A_116, %dma_wait3A_117] : memref<1000000x64xf32, #tpu.memory_space<hbm>> -> memref<1000000x64xf32, #tpu.memory_space<hbm>>
      tpu.wait_indirect_dma semaphore(%arg9 : memref<!tpu.dma_semaphore, #tpu.memory_space<semaphore_mem>>) src(%dma_wait3A_118 : memref<1000000x64xf32, #tpu.memory_space<hbm>>) dst(%dma_wait3A_112 : memref<100x64xf32, #tpu.memory_space<vmem>>)
      %mul3A_119 = arith.constant 2 : i32
      %mul3A_120 = arith.muli %add3A_97, %mul3A_119 : i32
      %add3A_121 = arith.constant 1 : i32
      %add3A_122 = arith.addi %mul3A_120, %add3A_121 : i32
      %dma_wait3A_123 = arith.constant 0 : i32
      %dma_wait3A_124 = arith.constant 100 : i32
      %dma_wait3A_125 = arith.constant 0 : i32
      %dma_wait3A_126 = tpu.memref_slice %arg8[%dma_wait3A_123, %dma_wait3A_124, %dma_wait3A_125] : memref<4x200x64xf32, #tpu.memory_space<vmem>> -> memref<1x100x64xf32, #tpu.memory_space<vmem>>
      %dma_wait3A_127 = tpu.memref_squeeze %dma_wait3A_126 : memref<1x100x64xf32, #tpu.memory_space<vmem>> -> memref<100x64xf32, #tpu.memory_space<vmem>>
      %dma_wait3A_128 = arith.constant 0 : i32
      %dma_wait3A_129 = tpu.memref_slice %arg6[%add3A_122, %dma_wait3A_128] : memref<256x100xi32, #tpu.memory_space<vmem>> -> memref<1x100xi32, #tpu.memory_space<vmem>>
      %dma_wait3A_130 = tpu.memref_squeeze %dma_wait3A_129 : memref<1x100xi32, #tpu.memory_space<vmem>> -> memref<100xi32, #tpu.memory_space<vmem>>
      %dma_wait3A_131 = arith.constant 0 : i32
      %dma_wait3A_132 = arith.constant 0 : i32
      %dma_wait3A_133 = tpu.memref_slice %arg2[%dma_wait3A_131, %dma_wait3A_132] : memref<1000000x64xf32, #tpu.memory_space<hbm>> -> memref<1000000x64xf32, #tpu.memory_space<hbm>>
      tpu.wait_indirect_dma semaphore(%arg9 : memref<!tpu.dma_semaphore, #tpu.memory_space<semaphore_mem>>) src(%dma_wait3A_133 : memref<1000000x64xf32, #tpu.memory_space<hbm>>) dst(%dma_wait3A_127 : memref<100x64xf32, #tpu.memory_space<vmem>>)
      %scan3A_134 = arith.constant 0 : i32
      %scan3A_135 = arith.constant 200 : i32
      %scan3A_136 = arith.addi %scan3A_134, %scan3A_135 : i32
      %scan3A_137 = arith.constant 1 : i32
      scf.for %scan3A_352 = %scan3A_134 to %scan3A_136 step %scan3A_137  : i32 {
        %mul3A_353 = arith.constant 1 : i32
        %mul3A_354 = arith.muli %scan3A_352, %mul3A_353 : i32
        %add3A_355 = arith.constant 0 : i32
        %add3A_356 = arith.addi %add3A_355, %mul3A_354 : i32
        %get3A = arith.index_cast %add3A_356 : i32 to index
        %get3A_357 = arith.constant 0 : index
        %get3A_358 = tpu.vector_load %arg7[%get3A, %get3A_357] {strides = array<i32>} : memref<200x64xf32, #tpu.memory_space<vmem>>, vector<1x16xf32>,
        %get3A_359 = vector.shape_cast %get3A_358 : vector<1x16xf32> to vector<16xf32>
        %swap3A = arith.constant 0 : i32
        %swap3A_360 = arith.index_cast %swap3A : i32 to index
        %swap3A_361 = arith.index_cast %add3A_356 : i32 to index
        %swap3A_362 = arith.constant 0 : index
        %swap3A_363 = tpu.vector_load %arg8[%swap3A_360, %swap3A_361, %swap3A_362] {strides = array<i32>} : memref<4x200x64xf32, #tpu.memory_space<vmem>>, vector<1x1x16xf32>,
        %swap3A_364 = vector.shape_cast %swap3A_363 : vector<1x1x16xf32> to vector<16xf32>
        %swap3A_365 = vector.shape_cast %get3A_359 : vector<16xf32> to vector<1x1x16xf32>
        tpu.vector_store %arg8[%swap3A_360, %swap3A_361, %swap3A_362], %swap3A_365 {add = true, strides = array<i32>} : memref<4x200x64xf32, #tpu.memory_space<vmem>>, vector<1x1x16xf32>,
        %get3A_366 = arith.index_cast %add3A_356 : i32 to index
        %get3A_367 = arith.constant 16 : index
        %get3A_368 = tpu.vector_load %arg7[%get3A_366, %get3A_367] {strides = array<i32>} : memref<200x64xf32, #tpu.memory_space<vmem>>, vector<1x16xf32>,
        %get3A_369 = vector.shape_cast %get3A_368 : vector<1x16xf32> to vector<16xf32>
        %swap3A_370 = arith.constant 0 : i32
        %swap3A_371 = arith.index_cast %swap3A_370 : i32 to index
        %swap3A_372 = arith.index_cast %add3A_356 : i32 to index
        %swap3A_373 = arith.constant 16 : index
        %swap3A_374 = tpu.vector_load %arg8[%swap3A_371, %swap3A_372, %swap3A_373] {strides = array<i32>} : memref<4x200x64xf32, #tpu.memory_space<vmem>>, vector<1x1x16xf32>,
        %swap3A_375 = vector.shape_cast %swap3A_374 : vector<1x1x16xf32> to vector<16xf32>
        %swap3A_376 = vector.shape_cast %get3A_369 : vector<16xf32> to vector<1x1x16xf32>
        tpu.vector_store %arg8[%swap3A_371, %swap3A_372, %swap3A_373], %swap3A_376 {add = true, strides = array<i32>} : memref<4x200x64xf32, #tpu.memory_space<vmem>>, vector<1x1x16xf32>,
        %get3A_377 = arith.index_cast %add3A_356 : i32 to index
        %get3A_378 = arith.constant 32 : index
        %get3A_379 = tpu.vector_load %arg7[%get3A_377, %get3A_378] {strides = array<i32>} : memref<200x64xf32, #tpu.memory_space<vmem>>, vector<1x16xf32>,
        %get3A_380 = vector.shape_cast %get3A_379 : vector<1x16xf32> to vector<16xf32>
        %swap3A_381 = arith.constant 0 : i32
        %swap3A_382 = arith.index_cast %swap3A_381 : i32 to index
        %swap3A_383 = arith.index_cast %add3A_356 : i32 to index
        %swap3A_384 = arith.constant 32 : index
        %swap3A_385 = tpu.vector_load %arg8[%swap3A_382, %swap3A_383, %swap3A_384] {strides = array<i32>} : memref<4x200x64xf32, #tpu.memory_space<vmem>>, vector<1x1x16xf32>,
        %swap3A_386 = vector.shape_cast %swap3A_385 : vector<1x1x16xf32> to vector<16xf32>
        %swap3A_387 = vector.shape_cast %get3A_380 : vector<16xf32> to vector<1x1x16xf32>
        tpu.vector_store %arg8[%swap3A_382, %swap3A_383, %swap3A_384], %swap3A_387 {add = true, strides = array<i32>} : memref<4x200x64xf32, #tpu.memory_space<vmem>>, vector<1x1x16xf32>,
        %get3A_388 = arith.index_cast %add3A_356 : i32 to index
        %get3A_389 = arith.constant 48 : index
        %get3A_390 = tpu.vector_load %arg7[%get3A_388, %get3A_389] {strides = array<i32>} : memref<200x64xf32, #tpu.memory_space<vmem>>, vector<1x16xf32>,
        %get3A_391 = vector.shape_cast %get3A_390 : vector<1x16xf32> to vector<16xf32>
        %swap3A_392 = arith.constant 0 : i32
        %swap3A_393 = arith.index_cast %swap3A_392 : i32 to index
        %swap3A_394 = arith.index_cast %add3A_356 : i32 to index
        %swap3A_395 = arith.constant 48 : index
        %swap3A_396 = tpu.vector_load %arg8[%swap3A_393, %swap3A_394, %swap3A_395] {strides = array<i32>} : memref<4x200x64xf32, #tpu.memory_space<vmem>>, vector<1x1x16xf32>,
        %swap3A_397 = vector.shape_cast %swap3A_396 : vector<1x1x16xf32> to vector<16xf32>
        %swap3A_398 = vector.shape_cast %get3A_391 : vector<16xf32> to vector<1x1x16xf32>
        tpu.vector_store %arg8[%swap3A_393, %swap3A_394, %swap3A_395], %swap3A_398 {add = true, strides = array<i32>} : memref<4x200x64xf32, #tpu.memory_space<vmem>>, vector<1x1x16xf32>,
      }
      %scan3A_138 = arith.constant 200 : i32
      %add3A_139 = arith.addi %mul3A_2, %add3A_97 : i32
      %dma_start3A_140 = arith.constant 0 : i32
      %dma_start3A_141 = arith.constant 0 : i32
      %dma_start3A_142 = arith.constant 0 : i32
      %dma_start3A_143 = tpu.memref_slice %arg8[%dma_start3A_140, %dma_start3A_141, %dma_start3A_142] : memref<4x200x64xf32, #tpu.memory_space<vmem>> -> memref<1x200x64xf32, #tpu.memory_space<vmem>>
      %dma_start3A_144 = tpu.memref_squeeze %dma_start3A_143 : memref<1x200x64xf32, #tpu.memory_space<vmem>> -> memref<200x64xf32, #tpu.memory_space<vmem>>
      %dma_start3A_145 = arith.constant 0 : i32
      %dma_start3A_146 = arith.constant 0 : i32
      %dma_start3A_147 = tpu.memref_slice %arg5[%add3A_139, %dma_start3A_145, %dma_start3A_146] : memref<4096x200x128xf32, #tpu.memory_space<hbm>> -> memref<1x200x64xf32, #tpu.memory_space<hbm>>
      %dma_start3A_148 = tpu.memref_squeeze %dma_start3A_147 : memref<1x200x64xf32, #tpu.memory_space<hbm>> -> memref<200x64xf32, #tpu.memory_space<hbm>>
      %dma_start3A_149 = arith.constant 0 : i32
      %dma_start3A_150 = arith.constant 0 : i32
      %dma_start3A_151 = tpu.memref_slice %arg5[%add3A_139, %dma_start3A_149, %dma_start3A_150] : memref<4096x200x128xf32, #tpu.memory_space<hbm>> -> memref<1x200x64xf32, #tpu.memory_space<hbm>>
      %dma_start3A_152 = tpu.memref_squeeze %dma_start3A_151 : memref<1x200x64xf32, #tpu.memory_space<hbm>> -> memref<200x64xf32, #tpu.memory_space<hbm>>
      %dma_start3A_153 = arith.constant 0 : i32
      %dma_start3A_154 = arith.constant 0 : i32
      %dma_start3A_155 = tpu.memref_slice %arg8[%dma_start3A_140, %dma_start3A_153, %dma_start3A_154] : memref<4x200x64xf32, #tpu.memory_space<vmem>> -> memref<1x200x64xf32, #tpu.memory_space<vmem>>
      %dma_start3A_156 = tpu.memref_squeeze %dma_start3A_155 : memref<1x200x64xf32, #tpu.memory_space<vmem>> -> memref<200x64xf32, #tpu.memory_space<vmem>>
      tpu.enqueue_dma source(%dma_start3A_156 : memref<200x64xf32, #tpu.memory_space<vmem>>) target(%dma_start3A_152 : memref<200x64xf32, #tpu.memory_space<hbm>>) target_semaphore(%arg13 : memref<!tpu.dma_semaphore, #tpu.memory_space<semaphore_mem>>)
      %add3A_157 = arith.constant 1 : i32
      %add3A_158 = arith.addi %add3A_95, %add3A_157 : i32
      %ge3A_159 = arith.constant 2 : i32
      %ge3A_160 = arith.cmpi sge, %add3A_158, %ge3A_159 : i32
      %convert_element_type3A_161 = arith.extui %ge3A_160 : i1 to i32
      %cond3A_162 = arith.constant 0 : i32
      %cond3A_163 = arith.cmpi ne, %convert_element_type3A_161, %cond3A_162 : i32
      scf.if %cond3A_163 {
        %add3A_352 = arith.addi %mul3A_2, %add3A_158 : i32
        %dma_wait3A_353 = arith.constant 3 : i32
        %dma_wait3A_354 = arith.constant 0 : i32
        %dma_wait3A_355 = arith.constant 0 : i32
        %dma_wait3A_356 = tpu.memref_slice %arg8[%dma_wait3A_353, %dma_wait3A_354, %dma_wait3A_355] : memref<4x200x64xf32, #tpu.memory_space<vmem>> -> memref<1x200x64xf32, #tpu.memory_space<vmem>>
        %dma_wait3A_357 = tpu.memref_squeeze %dma_wait3A_356 : memref<1x200x64xf32, #tpu.memory_space<vmem>> -> memref<200x64xf32, #tpu.memory_space<vmem>>
        %dma_wait3A_358 = arith.constant 0 : i32
        %dma_wait3A_359 = arith.constant 0 : i32
        %dma_wait3A_360 = tpu.memref_slice %arg5[%add3A_352, %dma_wait3A_358, %dma_wait3A_359] : memref<4096x200x128xf32, #tpu.memory_space<hbm>> -> memref<1x200x64xf32, #tpu.memory_space<hbm>>
        %dma_wait3A_361 = tpu.memref_squeeze %dma_wait3A_360 : memref<1x200x64xf32, #tpu.memory_space<hbm>> -> memref<200x64xf32, #tpu.memory_space<hbm>>
        %dma_wait3A_362 = arith.constant 0 : i32
        %dma_wait3A_363 = arith.constant 0 : i32
        %dma_wait3A_364 = tpu.memref_slice %arg5[%add3A_352, %dma_wait3A_362, %dma_wait3A_363] : memref<4096x200x128xf32, #tpu.memory_space<hbm>> -> memref<1x200x64xf32, #tpu.memory_space<hbm>>
        %dma_wait3A_365 = tpu.memref_squeeze %dma_wait3A_364 : memref<1x200x64xf32, #tpu.memory_space<hbm>> -> memref<200x64xf32, #tpu.memory_space<hbm>>
        %dma_wait3A_366 = arith.constant 0 : i32
        %dma_wait3A_367 = arith.constant 0 : i32
        %dma_wait3A_368 = tpu.memref_slice %arg8[%dma_wait3A_353, %dma_wait3A_366, %dma_wait3A_367] : memref<4x200x64xf32, #tpu.memory_space<vmem>> -> memref<1x200x64xf32, #tpu.memory_space<vmem>>
        %dma_wait3A_369 = tpu.memref_squeeze %dma_wait3A_368 : memref<1x200x64xf32, #tpu.memory_space<vmem>> -> memref<200x64xf32, #tpu.memory_space<vmem>>
        tpu.wait_dma2 semaphore(%arg16 : memref<!tpu.dma_semaphore, #tpu.memory_space<semaphore_mem>>) src(%dma_wait3A_369 : memref<200x64xf32, #tpu.memory_space<vmem>>) dst(%dma_wait3A_365 : memref<200x64xf32, #tpu.memory_space<hbm>>)
      } else {
      }
      %lt3A_164 = arith.constant 126 : i32
      %lt3A_165 = arith.cmpi slt, %add3A_158, %lt3A_164 : i32
      %convert_element_type3A_166 = arith.extui %lt3A_165 : i1 to i32
      %cond3A_167 = arith.constant 0 : i32
      %cond3A_168 = arith.cmpi ne, %convert_element_type3A_166, %cond3A_167 : i32
      scf.if %cond3A_168 {
        %add3A_352 = arith.constant 2 : i32
        %add3A_353 = arith.addi %add3A_158, %add3A_352 : i32
        %mul3A_354 = arith.constant 2 : i32
        %mul3A_355 = arith.muli %add3A_353, %mul3A_354 : i32
        %add3A_356 = arith.constant 0 : i32
        %add3A_357 = arith.addi %mul3A_355, %add3A_356 : i32
        %dma_start3A_358 = arith.constant 3 : i32
        %dma_start3A_359 = arith.constant 0 : i32
        %dma_start3A_360 = arith.constant 0 : i32
        %dma_start3A_361 = tpu.memref_slice %arg8[%dma_start3A_358, %dma_start3A_359, %dma_start3A_360] : memref<4x200x64xf32, #tpu.memory_space<vmem>> -> memref<1x100x64xf32, #tpu.memory_space<vmem>>
        %dma_start3A_362 = tpu.memref_squeeze %dma_start3A_361 : memref<1x100x64xf32, #tpu.memory_space<vmem>> -> memref<100x64xf32, #tpu.memory_space<vmem>>
        %dma_start3A_363 = arith.constant 0 : i32
        %dma_start3A_364 = tpu.memref_slice %arg6[%add3A_357, %dma_start3A_363] : memref<256x100xi32, #tpu.memory_space<vmem>> -> memref<1x100xi32, #tpu.memory_space<vmem>>
        %dma_start3A_365 = tpu.memref_squeeze %dma_start3A_364 : memref<1x100xi32, #tpu.memory_space<vmem>> -> memref<100xi32, #tpu.memory_space<vmem>>
        %dma_start3A_366 = arith.constant 0 : i32
        %dma_start3A_367 = arith.constant 0 : i32
        %dma_start3A_368 = tpu.memref_slice %arg2[%dma_start3A_366, %dma_start3A_367] : memref<1000000x64xf32, #tpu.memory_space<hbm>> -> memref<1000000x64xf32, #tpu.memory_space<hbm>>
        tpu.enqueue_indirect_dma source(%dma_start3A_368 : memref<1000000x64xf32, #tpu.memory_space<hbm>>) target(%dma_start3A_362 : memref<100x64xf32, #tpu.memory_space<vmem>>) offsets(%dma_start3A_365 : memref<100xi32, #tpu.memory_space<vmem>>) semaphore(%arg12 : memref<!tpu.dma_semaphore, #tpu.memory_space<semaphore_mem>>)
        %mul3A_369 = arith.constant 2 : i32
        %mul3A_370 = arith.muli %add3A_353, %mul3A_369 : i32
        %add3A_371 = arith.constant 1 : i32
        %add3A_372 = arith.addi %mul3A_370, %add3A_371 : i32
        %dma_start3A_373 = arith.constant 3 : i32
        %dma_start3A_374 = arith.constant 100 : i32
        %dma_start3A_375 = arith.constant 0 : i32
        %dma_start3A_376 = tpu.memref_slice %arg8[%dma_start3A_373, %dma_start3A_374, %dma_start3A_375] : memref<4x200x64xf32, #tpu.memory_space<vmem>> -> memref<1x100x64xf32, #tpu.memory_space<vmem>>
        %dma_start3A_377 = tpu.memref_squeeze %dma_start3A_376 : memref<1x100x64xf32, #tpu.memory_space<vmem>> -> memref<100x64xf32, #tpu.memory_space<vmem>>
        %dma_start3A_378 = arith.constant 0 : i32
        %dma_start3A_379 = tpu.memref_slice %arg6[%add3A_372, %dma_start3A_378] : memref<256x100xi32, #tpu.memory_space<vmem>> -> memref<1x100xi32, #tpu.memory_space<vmem>>
        %dma_start3A_380 = tpu.memref_squeeze %dma_start3A_379 : memref<1x100xi32, #tpu.memory_space<vmem>> -> memref<100xi32, #tpu.memory_space<vmem>>
        %dma_start3A_381 = arith.constant 0 : i32
        %dma_start3A_382 = arith.constant 0 : i32
        %dma_start3A_383 = tpu.memref_slice %arg2[%dma_start3A_381, %dma_start3A_382] : memref<1000000x64xf32, #tpu.memory_space<hbm>> -> memref<1000000x64xf32, #tpu.memory_space<hbm>>
        tpu.enqueue_indirect_dma source(%dma_start3A_383 : memref<1000000x64xf32, #tpu.memory_space<hbm>>) target(%dma_start3A_377 : memref<100x64xf32, #tpu.memory_space<vmem>>) offsets(%dma_start3A_380 : memref<100xi32, #tpu.memory_space<vmem>>) semaphore(%arg12 : memref<!tpu.dma_semaphore, #tpu.memory_space<semaphore_mem>>)
      } else {
      }
      %mul3A_169 = arith.constant 2 : i32
      %mul3A_170 = arith.muli %add3A_158, %mul3A_169 : i32
      %add3A_171 = arith.constant 0 : i32
      %add3A_172 = arith.addi %mul3A_170, %add3A_171 : i32
      %dma_wait3A_173 = arith.constant 1 : i32
      %dma_wait3A_174 = arith.constant 0 : i32
      %dma_wait3A_175 = arith.constant 0 : i32
      %dma_wait3A_176 = tpu.memref_slice %arg8[%dma_wait3A_173, %dma_wait3A_174, %dma_wait3A_175] : memref<4x200x64xf32, #tpu.memory_space<vmem>> -> memref<1x100x64xf32, #tpu.memory_space<vmem>>
      %dma_wait3A_177 = tpu.memref_squeeze %dma_wait3A_176 : memref<1x100x64xf32, #tpu.memory_space<vmem>> -> memref<100x64xf32, #tpu.memory_space<vmem>>
      %dma_wait3A_178 = arith.constant 0 : i32
      %dma_wait3A_179 = tpu.memref_slice %arg6[%add3A_172, %dma_wait3A_178] : memref<256x100xi32, #tpu.memory_space<vmem>> -> memref<1x100xi32, #tpu.memory_space<vmem>>
      %dma_wait3A_180 = tpu.memref_squeeze %dma_wait3A_179 : memref<1x100xi32, #tpu.memory_space<vmem>> -> memref<100xi32, #tpu.memory_space<vmem>>
      %dma_wait3A_181 = arith.constant 0 : i32
      %dma_wait3A_182 = arith.constant 0 : i32
      %dma_wait3A_183 = tpu.memref_slice %arg2[%dma_wait3A_181, %dma_wait3A_182] : memref<1000000x64xf32, #tpu.memory_space<hbm>> -> memref<1000000x64xf32, #tpu.memory_space<hbm>>
      tpu.wait_indirect_dma semaphore(%arg10 : memref<!tpu.dma_semaphore, #tpu.memory_space<semaphore_mem>>) src(%dma_wait3A_183 : memref<1000000x64xf32, #tpu.memory_space<hbm>>) dst(%dma_wait3A_177 : memref<100x64xf32, #tpu.memory_space<vmem>>)
      %mul3A_184 = arith.constant 2 : i32
      %mul3A_185 = arith.muli %add3A_158, %mul3A_184 : i32
      %add3A_186 = arith.constant 1 : i32
      %add3A_187 = arith.addi %mul3A_185, %add3A_186 : i32
      %dma_wait3A_188 = arith.constant 1 : i32
      %dma_wait3A_189 = arith.constant 100 : i32
      %dma_wait3A_190 = arith.constant 0 : i32
      %dma_wait3A_191 = tpu.memref_slice %arg8[%dma_wait3A_188, %dma_wait3A_189, %dma_wait3A_190] : memref<4x200x64xf32, #tpu.memory_space<vmem>> -> memref<1x100x64xf32, #tpu.memory_space<vmem>>
      %dma_wait3A_192 = tpu.memref_squeeze %dma_wait3A_191 : memref<1x100x64xf32, #tpu.memory_space<vmem>> -> memref<100x64xf32, #tpu.memory_space<vmem>>
      %dma_wait3A_193 = arith.constant 0 : i32
      %dma_wait3A_194 = tpu.memref_slice %arg6[%add3A_187, %dma_wait3A_193] : memref<256x100xi32, #tpu.memory_space<vmem>> -> memref<1x100xi32, #tpu.memory_space<vmem>>
      %dma_wait3A_195 = tpu.memref_squeeze %dma_wait3A_194 : memref<1x100xi32, #tpu.memory_space<vmem>> -> memref<100xi32, #tpu.memory_space<vmem>>
      %dma_wait3A_196 = arith.constant 0 : i32
      %dma_wait3A_197 = arith.constant 0 : i32
      %dma_wait3A_198 = tpu.memref_slice %arg2[%dma_wait3A_196, %dma_wait3A_197] : memref<1000000x64xf32, #tpu.memory_space<hbm>> -> memref<1000000x64xf32, #tpu.memory_space<hbm>>
      tpu.wait_indirect_dma semaphore(%arg10 : memref<!tpu.dma_semaphore, #tpu.memory_space<semaphore_mem>>) src(%dma_wait3A_198 : memref<1000000x64xf32, #tpu.memory_space<hbm>>) dst(%dma_wait3A_192 : memref<100x64xf32, #tpu.memory_space<vmem>>)
      %scan3A_199 = arith.constant 0 : i32
      %scan3A_200 = arith.constant 200 : i32
      %scan3A_201 = arith.addi %scan3A_199, %scan3A_200 : i32
      %scan3A_202 = arith.constant 1 : i32
      scf.for %scan3A_352 = %scan3A_199 to %scan3A_201 step %scan3A_202  : i32 {
        %mul3A_353 = arith.constant 1 : i32
        %mul3A_354 = arith.muli %scan3A_352, %mul3A_353 : i32
        %add3A_355 = arith.constant 0 : i32
        %add3A_356 = arith.addi %add3A_355, %mul3A_354 : i32
        %get3A = arith.index_cast %add3A_356 : i32 to index
        %get3A_357 = arith.constant 0 : index
        %get3A_358 = tpu.vector_load %arg7[%get3A, %get3A_357] {strides = array<i32>} : memref<200x64xf32, #tpu.memory_space<vmem>>, vector<1x16xf32>,
        %get3A_359 = vector.shape_cast %get3A_358 : vector<1x16xf32> to vector<16xf32>
        %swap3A = arith.constant 1 : i32
        %swap3A_360 = arith.index_cast %swap3A : i32 to index
        %swap3A_361 = arith.index_cast %add3A_356 : i32 to index
        %swap3A_362 = arith.constant 0 : index
        %swap3A_363 = tpu.vector_load %arg8[%swap3A_360, %swap3A_361, %swap3A_362] {strides = array<i32>} : memref<4x200x64xf32, #tpu.memory_space<vmem>>, vector<1x1x16xf32>,
        %swap3A_364 = vector.shape_cast %swap3A_363 : vector<1x1x16xf32> to vector<16xf32>
        %swap3A_365 = vector.shape_cast %get3A_359 : vector<16xf32> to vector<1x1x16xf32>
        tpu.vector_store %arg8[%swap3A_360, %swap3A_361, %swap3A_362], %swap3A_365 {add = true, strides = array<i32>} : memref<4x200x64xf32, #tpu.memory_space<vmem>>, vector<1x1x16xf32>,
        %get3A_366 = arith.index_cast %add3A_356 : i32 to index
        %get3A_367 = arith.constant 16 : index
        %get3A_368 = tpu.vector_load %arg7[%get3A_366, %get3A_367] {strides = array<i32>} : memref<200x64xf32, #tpu.memory_space<vmem>>, vector<1x16xf32>,
        %get3A_369 = vector.shape_cast %get3A_368 : vector<1x16xf32> to vector<16xf32>
        %swap3A_370 = arith.constant 1 : i32
        %swap3A_371 = arith.index_cast %swap3A_370 : i32 to index
        %swap3A_372 = arith.index_cast %add3A_356 : i32 to index
        %swap3A_373 = arith.constant 16 : index
        %swap3A_374 = tpu.vector_load %arg8[%swap3A_371, %swap3A_372, %swap3A_373] {strides = array<i32>} : memref<4x200x64xf32, #tpu.memory_space<vmem>>, vector<1x1x16xf32>,
        %swap3A_375 = vector.shape_cast %swap3A_374 : vector<1x1x16xf32> to vector<16xf32>
        %swap3A_376 = vector.shape_cast %get3A_369 : vector<16xf32> to vector<1x1x16xf32>
        tpu.vector_store %arg8[%swap3A_371, %swap3A_372, %swap3A_373], %swap3A_376 {add = true, strides = array<i32>} : memref<4x200x64xf32, #tpu.memory_space<vmem>>, vector<1x1x16xf32>,
        %get3A_377 = arith.index_cast %add3A_356 : i32 to index
        %get3A_378 = arith.constant 32 : index
        %get3A_379 = tpu.vector_load %arg7[%get3A_377, %get3A_378] {strides = array<i32>} : memref<200x64xf32, #tpu.memory_space<vmem>>, vector<1x16xf32>,
        %get3A_380 = vector.shape_cast %get3A_379 : vector<1x16xf32> to vector<16xf32>
        %swap3A_381 = arith.constant 1 : i32
        %swap3A_382 = arith.index_cast %swap3A_381 : i32 to index
        %swap3A_383 = arith.index_cast %add3A_356 : i32 to index
        %swap3A_384 = arith.constant 32 : index
        %swap3A_385 = tpu.vector_load %arg8[%swap3A_382, %swap3A_383, %swap3A_384] {strides = array<i32>} : memref<4x200x64xf32, #tpu.memory_space<vmem>>, vector<1x1x16xf32>,
        %swap3A_386 = vector.shape_cast %swap3A_385 : vector<1x1x16xf32> to vector<16xf32>
        %swap3A_387 = vector.shape_cast %get3A_380 : vector<16xf32> to vector<1x1x16xf32>
        tpu.vector_store %arg8[%swap3A_382, %swap3A_383, %swap3A_384], %swap3A_387 {add = true, strides = array<i32>} : memref<4x200x64xf32, #tpu.memory_space<vmem>>, vector<1x1x16xf32>,
        %get3A_388 = arith.index_cast %add3A_356 : i32 to index
        %get3A_389 = arith.constant 48 : index
        %get3A_390 = tpu.vector_load %arg7[%get3A_388, %get3A_389] {strides = array<i32>} : memref<200x64xf32, #tpu.memory_space<vmem>>, vector<1x16xf32>,
        %get3A_391 = vector.shape_cast %get3A_390 : vector<1x16xf32> to vector<16xf32>
        %swap3A_392 = arith.constant 1 : i32
        %swap3A_393 = arith.index_cast %swap3A_392 : i32 to index
        %swap3A_394 = arith.index_cast %add3A_356 : i32 to index
        %swap3A_395 = arith.constant 48 : index
        %swap3A_396 = tpu.vector_load %arg8[%swap3A_393, %swap3A_394, %swap3A_395] {strides = array<i32>} : memref<4x200x64xf32, #tpu.memory_space<vmem>>, vector<1x1x16xf32>,
        %swap3A_397 = vector.shape_cast %swap3A_396 : vector<1x1x16xf32> to vector<16xf32>
        %swap3A_398 = vector.shape_cast %get3A_391 : vector<16xf32> to vector<1x1x16xf32>
        tpu.vector_store %arg8[%swap3A_393, %swap3A_394, %swap3A_395], %swap3A_398 {add = true, strides = array<i32>} : memref<4x200x64xf32, #tpu.memory_space<vmem>>, vector<1x1x16xf32>,
      }
      %scan3A_203 = arith.constant 200 : i32
      %add3A_204 = arith.addi %mul3A_2, %add3A_158 : i32
      %dma_start3A_205 = arith.constant 1 : i32
      %dma_start3A_206 = arith.constant 0 : i32
      %dma_start3A_207 = arith.constant 0 : i32
      %dma_start3A_208 = tpu.memref_slice %arg8[%dma_start3A_205, %dma_start3A_206, %dma_start3A_207] : memref<4x200x64xf32, #tpu.memory_space<vmem>> -> memref<1x200x64xf32, #tpu.memory_space<vmem>>
      %dma_start3A_209 = tpu.memref_squeeze %dma_start3A_208 : memref<1x200x64xf32, #tpu.memory_space<vmem>> -> memref<200x64xf32, #tpu.memory_space<vmem>>
      %dma_start3A_210 = arith.constant 0 : i32
      %dma_start3A_211 = arith.constant 0 : i32
      %dma_start3A_212 = tpu.memref_slice %arg5[%add3A_204, %dma_start3A_210, %dma_start3A_211] : memref<4096x200x128xf32, #tpu.memory_space<hbm>> -> memref<1x200x64xf32, #tpu.memory_space<hbm>>
      %dma_start3A_213 = tpu.memref_squeeze %dma_start3A_212 : memref<1x200x64xf32, #tpu.memory_space<hbm>> -> memref<200x64xf32, #tpu.memory_space<hbm>>
      %dma_start3A_214 = arith.constant 0 : i32
      %dma_start3A_215 = arith.constant 0 : i32
      %dma_start3A_216 = tpu.memref_slice %arg5[%add3A_204, %dma_start3A_214, %dma_start3A_215] : memref<4096x200x128xf32, #tpu.memory_space<hbm>> -> memref<1x200x64xf32, #tpu.memory_space<hbm>>
      %dma_start3A_217 = tpu.memref_squeeze %dma_start3A_216 : memref<1x200x64xf32, #tpu.memory_space<hbm>> -> memref<200x64xf32, #tpu.memory_space<hbm>>
      %dma_start3A_218 = arith.constant 0 : i32
      %dma_start3A_219 = arith.constant 0 : i32
      %dma_start3A_220 = tpu.memref_slice %arg8[%dma_start3A_205, %dma_start3A_218, %dma_start3A_219] : memref<4x200x64xf32, #tpu.memory_space<vmem>> -> memref<1x200x64xf32, #tpu.memory_space<vmem>>
      %dma_start3A_221 = tpu.memref_squeeze %dma_start3A_220 : memref<1x200x64xf32, #tpu.memory_space<vmem>> -> memref<200x64xf32, #tpu.memory_space<vmem>>
      tpu.enqueue_dma source(%dma_start3A_221 : memref<200x64xf32, #tpu.memory_space<vmem>>) target(%dma_start3A_217 : memref<200x64xf32, #tpu.memory_space<hbm>>) target_semaphore(%arg14 : memref<!tpu.dma_semaphore, #tpu.memory_space<semaphore_mem>>)
      %add3A_222 = arith.constant 2 : i32
      %add3A_223 = arith.addi %add3A_95, %add3A_222 : i32
      %ge3A_224 = arith.constant 2 : i32
      %ge3A_225 = arith.cmpi sge, %add3A_223, %ge3A_224 : i32
      %convert_element_type3A_226 = arith.extui %ge3A_225 : i1 to i32
      %cond3A_227 = arith.constant 0 : i32
      %cond3A_228 = arith.cmpi ne, %convert_element_type3A_226, %cond3A_227 : i32
      scf.if %cond3A_228 {
        %add3A_352 = arith.addi %mul3A_2, %add3A_223 : i32
        %dma_wait3A_353 = arith.constant 0 : i32
        %dma_wait3A_354 = arith.constant 0 : i32
        %dma_wait3A_355 = arith.constant 0 : i32
        %dma_wait3A_356 = tpu.memref_slice %arg8[%dma_wait3A_353, %dma_wait3A_354, %dma_wait3A_355] : memref<4x200x64xf32, #tpu.memory_space<vmem>> -> memref<1x200x64xf32, #tpu.memory_space<vmem>>
        %dma_wait3A_357 = tpu.memref_squeeze %dma_wait3A_356 : memref<1x200x64xf32, #tpu.memory_space<vmem>> -> memref<200x64xf32, #tpu.memory_space<vmem>>
        %dma_wait3A_358 = arith.constant 0 : i32
        %dma_wait3A_359 = arith.constant 0 : i32
        %dma_wait3A_360 = tpu.memref_slice %arg5[%add3A_352, %dma_wait3A_358, %dma_wait3A_359] : memref<4096x200x128xf32, #tpu.memory_space<hbm>> -> memref<1x200x64xf32, #tpu.memory_space<hbm>>
        %dma_wait3A_361 = tpu.memref_squeeze %dma_wait3A_360 : memref<1x200x64xf32, #tpu.memory_space<hbm>> -> memref<200x64xf32, #tpu.memory_space<hbm>>
        %dma_wait3A_362 = arith.constant 0 : i32
        %dma_wait3A_363 = arith.constant 0 : i32
        %dma_wait3A_364 = tpu.memref_slice %arg5[%add3A_352, %dma_wait3A_362, %dma_wait3A_363] : memref<4096x200x128xf32, #tpu.memory_space<hbm>> -> memref<1x200x64xf32, #tpu.memory_space<hbm>>
        %dma_wait3A_365 = tpu.memref_squeeze %dma_wait3A_364 : memref<1x200x64xf32, #tpu.memory_space<hbm>> -> memref<200x64xf32, #tpu.memory_space<hbm>>
        %dma_wait3A_366 = arith.constant 0 : i32
        %dma_wait3A_367 = arith.constant 0 : i32
        %dma_wait3A_368 = tpu.memref_slice %arg8[%dma_wait3A_353, %dma_wait3A_366, %dma_wait3A_367] : memref<4x200x64xf32, #tpu.memory_space<vmem>> -> memref<1x200x64xf32, #tpu.memory_space<vmem>>
        %dma_wait3A_369 = tpu.memref_squeeze %dma_wait3A_368 : memref<1x200x64xf32, #tpu.memory_space<vmem>> -> memref<200x64xf32, #tpu.memory_space<vmem>>
        tpu.wait_dma2 semaphore(%arg13 : memref<!tpu.dma_semaphore, #tpu.memory_space<semaphore_mem>>) src(%dma_wait3A_369 : memref<200x64xf32, #tpu.memory_space<vmem>>) dst(%dma_wait3A_365 : memref<200x64xf32, #tpu.memory_space<hbm>>)
      } else {
      }
      %lt3A_229 = arith.constant 126 : i32
      %lt3A_230 = arith.cmpi slt, %add3A_223, %lt3A_229 : i32
      %convert_element_type3A_231 = arith.extui %lt3A_230 : i1 to i32
      %cond3A_232 = arith.constant 0 : i32
      %cond3A_233 = arith.cmpi ne, %convert_element_type3A_231, %cond3A_232 : i32
      scf.if %cond3A_233 {
        %add3A_352 = arith.constant 2 : i32
        %add3A_353 = arith.addi %add3A_223, %add3A_352 : i32
        %mul3A_354 = arith.constant 2 : i32
        %mul3A_355 = arith.muli %add3A_353, %mul3A_354 : i32
        %add3A_356 = arith.constant 0 : i32
        %add3A_357 = arith.addi %mul3A_355, %add3A_356 : i32
        %dma_start3A_358 = arith.constant 0 : i32
        %dma_start3A_359 = arith.constant 0 : i32
        %dma_start3A_360 = arith.constant 0 : i32
        %dma_start3A_361 = tpu.memref_slice %arg8[%dma_start3A_358, %dma_start3A_359, %dma_start3A_360] : memref<4x200x64xf32, #tpu.memory_space<vmem>> -> memref<1x100x64xf32, #tpu.memory_space<vmem>>
        %dma_start3A_362 = tpu.memref_squeeze %dma_start3A_361 : memref<1x100x64xf32, #tpu.memory_space<vmem>> -> memref<100x64xf32, #tpu.memory_space<vmem>>
        %dma_start3A_363 = arith.constant 0 : i32
        %dma_start3A_364 = tpu.memref_slice %arg6[%add3A_357, %dma_start3A_363] : memref<256x100xi32, #tpu.memory_space<vmem>> -> memref<1x100xi32, #tpu.memory_space<vmem>>
        %dma_start3A_365 = tpu.memref_squeeze %dma_start3A_364 : memref<1x100xi32, #tpu.memory_space<vmem>> -> memref<100xi32, #tpu.memory_space<vmem>>
        %dma_start3A_366 = arith.constant 0 : i32
        %dma_start3A_367 = arith.constant 0 : i32
        %dma_start3A_368 = tpu.memref_slice %arg2[%dma_start3A_366, %dma_start3A_367] : memref<1000000x64xf32, #tpu.memory_space<hbm>> -> memref<1000000x64xf32, #tpu.memory_space<hbm>>
        tpu.enqueue_indirect_dma source(%dma_start3A_368 : memref<1000000x64xf32, #tpu.memory_space<hbm>>) target(%dma_start3A_362 : memref<100x64xf32, #tpu.memory_space<vmem>>) offsets(%dma_start3A_365 : memref<100xi32, #tpu.memory_space<vmem>>) semaphore(%arg9 : memref<!tpu.dma_semaphore, #tpu.memory_space<semaphore_mem>>)
        %mul3A_369 = arith.constant 2 : i32
        %mul3A_370 = arith.muli %add3A_353, %mul3A_369 : i32
        %add3A_371 = arith.constant 1 : i32
        %add3A_372 = arith.addi %mul3A_370, %add3A_371 : i32
        %dma_start3A_373 = arith.constant 0 : i32
        %dma_start3A_374 = arith.constant 100 : i32
        %dma_start3A_375 = arith.constant 0 : i32
        %dma_start3A_376 = tpu.memref_slice %arg8[%dma_start3A_373, %dma_start3A_374, %dma_start3A_375] : memref<4x200x64xf32, #tpu.memory_space<vmem>> -> memref<1x100x64xf32, #tpu.memory_space<vmem>>
        %dma_start3A_377 = tpu.memref_squeeze %dma_start3A_376 : memref<1x100x64xf32, #tpu.memory_space<vmem>> -> memref<100x64xf32, #tpu.memory_space<vmem>>
        %dma_start3A_378 = arith.constant 0 : i32
        %dma_start3A_379 = tpu.memref_slice %arg6[%add3A_372, %dma_start3A_378] : memref<256x100xi32, #tpu.memory_space<vmem>> -> memref<1x100xi32, #tpu.memory_space<vmem>>
        %dma_start3A_380 = tpu.memref_squeeze %dma_start3A_379 : memref<1x100xi32, #tpu.memory_space<vmem>> -> memref<100xi32, #tpu.memory_space<vmem>>
        %dma_start3A_381 = arith.constant 0 : i32
        %dma_start3A_382 = arith.constant 0 : i32
        %dma_start3A_383 = tpu.memref_slice %arg2[%dma_start3A_381, %dma_start3A_382] : memref<1000000x64xf32, #tpu.memory_space<hbm>> -> memref<1000000x64xf32, #tpu.memory_space<hbm>>
        tpu.enqueue_indirect_dma source(%dma_start3A_383 : memref<1000000x64xf32, #tpu.memory_space<hbm>>) target(%dma_start3A_377 : memref<100x64xf32, #tpu.memory_space<vmem>>) offsets(%dma_start3A_380 : memref<100xi32, #tpu.memory_space<vmem>>) semaphore(%arg9 : memref<!tpu.dma_semaphore, #tpu.memory_space<semaphore_mem>>)
      } else {
      }
      %mul3A_234 = arith.constant 2 : i32
      %mul3A_235 = arith.muli %add3A_223, %mul3A_234 : i32
      %add3A_236 = arith.constant 0 : i32
      %add3A_237 = arith.addi %mul3A_235, %add3A_236 : i32
      %dma_wait3A_238 = arith.constant 2 : i32
      %dma_wait3A_239 = arith.constant 0 : i32
      %dma_wait3A_240 = arith.constant 0 : i32
      %dma_wait3A_241 = tpu.memref_slice %arg8[%dma_wait3A_238, %dma_wait3A_239, %dma_wait3A_240] : memref<4x200x64xf32, #tpu.memory_space<vmem>> -> memref<1x100x64xf32, #tpu.memory_space<vmem>>
      %dma_wait3A_242 = tpu.memref_squeeze %dma_wait3A_241 : memref<1x100x64xf32, #tpu.memory_space<vmem>> -> memref<100x64xf32, #tpu.memory_space<vmem>>
      %dma_wait3A_243 = arith.constant 0 : i32
      %dma_wait3A_244 = tpu.memref_slice %arg6[%add3A_237, %dma_wait3A_243] : memref<256x100xi32, #tpu.memory_space<vmem>> -> memref<1x100xi32, #tpu.memory_space<vmem>>
      %dma_wait3A_245 = tpu.memref_squeeze %dma_wait3A_244 : memref<1x100xi32, #tpu.memory_space<vmem>> -> memref<100xi32, #tpu.memory_space<vmem>>
      %dma_wait3A_246 = arith.constant 0 : i32
      %dma_wait3A_247 = arith.constant 0 : i32
      %dma_wait3A_248 = tpu.memref_slice %arg2[%dma_wait3A_246, %dma_wait3A_247] : memref<1000000x64xf32, #tpu.memory_space<hbm>> -> memref<1000000x64xf32, #tpu.memory_space<hbm>>
      tpu.wait_indirect_dma semaphore(%arg11 : memref<!tpu.dma_semaphore, #tpu.memory_space<semaphore_mem>>) src(%dma_wait3A_248 : memref<1000000x64xf32, #tpu.memory_space<hbm>>) dst(%dma_wait3A_242 : memref<100x64xf32, #tpu.memory_space<vmem>>)
      %mul3A_249 = arith.constant 2 : i32
      %mul3A_250 = arith.muli %add3A_223, %mul3A_249 : i32
      %add3A_251 = arith.constant 1 : i32
      %add3A_252 = arith.addi %mul3A_250, %add3A_251 : i32
      %dma_wait3A_253 = arith.constant 2 : i32
      %dma_wait3A_254 = arith.constant 100 : i32
      %dma_wait3A_255 = arith.constant 0 : i32
      %dma_wait3A_256 = tpu.memref_slice %arg8[%dma_wait3A_253, %dma_wait3A_254, %dma_wait3A_255] : memref<4x200x64xf32, #tpu.memory_space<vmem>> -> memref<1x100x64xf32, #tpu.memory_space<vmem>>
      %dma_wait3A_257 = tpu.memref_squeeze %dma_wait3A_256 : memref<1x100x64xf32, #tpu.memory_space<vmem>> -> memref<100x64xf32, #tpu.memory_space<vmem>>
      %dma_wait3A_258 = arith.constant 0 : i32
      %dma_wait3A_259 = tpu.memref_slice %arg6[%add3A_252, %dma_wait3A_258] : memref<256x100xi32, #tpu.memory_space<vmem>> -> memref<1x100xi32, #tpu.memory_space<vmem>>
      %dma_wait3A_260 = tpu.memref_squeeze %dma_wait3A_259 : memref<1x100xi32, #tpu.memory_space<vmem>> -> memref<100xi32, #tpu.memory_space<vmem>>
      %dma_wait3A_261 = arith.constant 0 : i32
      %dma_wait3A_262 = arith.constant 0 : i32
      %dma_wait3A_263 = tpu.memref_slice %arg2[%dma_wait3A_261, %dma_wait3A_262] : memref<1000000x64xf32, #tpu.memory_space<hbm>> -> memref<1000000x64xf32, #tpu.memory_space<hbm>>
      tpu.wait_indirect_dma semaphore(%arg11 : memref<!tpu.dma_semaphore, #tpu.memory_space<semaphore_mem>>) src(%dma_wait3A_263 : memref<1000000x64xf32, #tpu.memory_space<hbm>>) dst(%dma_wait3A_257 : memref<100x64xf32, #tpu.memory_space<vmem>>)
      %scan3A_264 = arith.constant 0 : i32
      %scan3A_265 = arith.constant 200 : i32
      %scan3A_266 = arith.addi %scan3A_264, %scan3A_265 : i32
      %scan3A_267 = arith.constant 1 : i32
      scf.for %scan3A_352 = %scan3A_264 to %scan3A_266 step %scan3A_267  : i32 {
        %mul3A_353 = arith.constant 1 : i32
        %mul3A_354 = arith.muli %scan3A_352, %mul3A_353 : i32
        %add3A_355 = arith.constant 0 : i32
        %add3A_356 = arith.addi %add3A_355, %mul3A_354 : i32
        %get3A = arith.index_cast %add3A_356 : i32 to index
        %get3A_357 = arith.constant 0 : index
        %get3A_358 = tpu.vector_load %arg7[%get3A, %get3A_357] {strides = array<i32>} : memref<200x64xf32, #tpu.memory_space<vmem>>, vector<1x16xf32>,
        %get3A_359 = vector.shape_cast %get3A_358 : vector<1x16xf32> to vector<16xf32>
        %swap3A = arith.constant 2 : i32
        %swap3A_360 = arith.index_cast %swap3A : i32 to index
        %swap3A_361 = arith.index_cast %add3A_356 : i32 to index
        %swap3A_362 = arith.constant 0 : index
        %swap3A_363 = tpu.vector_load %arg8[%swap3A_360, %swap3A_361, %swap3A_362] {strides = array<i32>} : memref<4x200x64xf32, #tpu.memory_space<vmem>>, vector<1x1x16xf32>,
        %swap3A_364 = vector.shape_cast %swap3A_363 : vector<1x1x16xf32> to vector<16xf32>
        %swap3A_365 = vector.shape_cast %get3A_359 : vector<16xf32> to vector<1x1x16xf32>
        tpu.vector_store %arg8[%swap3A_360, %swap3A_361, %swap3A_362], %swap3A_365 {add = true, strides = array<i32>} : memref<4x200x64xf32, #tpu.memory_space<vmem>>, vector<1x1x16xf32>,
        %get3A_366 = arith.index_cast %add3A_356 : i32 to index
        %get3A_367 = arith.constant 16 : index
        %get3A_368 = tpu.vector_load %arg7[%get3A_366, %get3A_367] {strides = array<i32>} : memref<200x64xf32, #tpu.memory_space<vmem>>, vector<1x16xf32>,
        %get3A_369 = vector.shape_cast %get3A_368 : vector<1x16xf32> to vector<16xf32>
        %swap3A_370 = arith.constant 2 : i32
        %swap3A_371 = arith.index_cast %swap3A_370 : i32 to index
        %swap3A_372 = arith.index_cast %add3A_356 : i32 to index
        %swap3A_373 = arith.constant 16 : index
        %swap3A_374 = tpu.vector_load %arg8[%swap3A_371, %swap3A_372, %swap3A_373] {strides = array<i32>} : memref<4x200x64xf32, #tpu.memory_space<vmem>>, vector<1x1x16xf32>,
        %swap3A_375 = vector.shape_cast %swap3A_374 : vector<1x1x16xf32> to vector<16xf32>
        %swap3A_376 = vector.shape_cast %get3A_369 : vector<16xf32> to vector<1x1x16xf32>
        tpu.vector_store %arg8[%swap3A_371, %swap3A_372, %swap3A_373], %swap3A_376 {add = true, strides = array<i32>} : memref<4x200x64xf32, #tpu.memory_space<vmem>>, vector<1x1x16xf32>,
        %get3A_377 = arith.index_cast %add3A_356 : i32 to index
        %get3A_378 = arith.constant 32 : index
        %get3A_379 = tpu.vector_load %arg7[%get3A_377, %get3A_378] {strides = array<i32>} : memref<200x64xf32, #tpu.memory_space<vmem>>, vector<1x16xf32>,
        %get3A_380 = vector.shape_cast %get3A_379 : vector<1x16xf32> to vector<16xf32>
        %swap3A_381 = arith.constant 2 : i32
        %swap3A_382 = arith.index_cast %swap3A_381 : i32 to index
        %swap3A_383 = arith.index_cast %add3A_356 : i32 to index
        %swap3A_384 = arith.constant 32 : index
        %swap3A_385 = tpu.vector_load %arg8[%swap3A_382, %swap3A_383, %swap3A_384] {strides = array<i32>} : memref<4x200x64xf32, #tpu.memory_space<vmem>>, vector<1x1x16xf32>,
        %swap3A_386 = vector.shape_cast %swap3A_385 : vector<1x1x16xf32> to vector<16xf32>
        %swap3A_387 = vector.shape_cast %get3A_380 : vector<16xf32> to vector<1x1x16xf32>
        tpu.vector_store %arg8[%swap3A_382, %swap3A_383, %swap3A_384], %swap3A_387 {add = true, strides = array<i32>} : memref<4x200x64xf32, #tpu.memory_space<vmem>>, vector<1x1x16xf32>,
        %get3A_388 = arith.index_cast %add3A_356 : i32 to index
        %get3A_389 = arith.constant 48 : index
        %get3A_390 = tpu.vector_load %arg7[%get3A_388, %get3A_389] {strides = array<i32>} : memref<200x64xf32, #tpu.memory_space<vmem>>, vector<1x16xf32>,
        %get3A_391 = vector.shape_cast %get3A_390 : vector<1x16xf32> to vector<16xf32>
        %swap3A_392 = arith.constant 2 : i32
        %swap3A_393 = arith.index_cast %swap3A_392 : i32 to index
        %swap3A_394 = arith.index_cast %add3A_356 : i32 to index
        %swap3A_395 = arith.constant 48 : index
        %swap3A_396 = tpu.vector_load %arg8[%swap3A_393, %swap3A_394, %swap3A_395] {strides = array<i32>} : memref<4x200x64xf32, #tpu.memory_space<vmem>>, vector<1x1x16xf32>,
        %swap3A_397 = vector.shape_cast %swap3A_396 : vector<1x1x16xf32> to vector<16xf32>
        %swap3A_398 = vector.shape_cast %get3A_391 : vector<16xf32> to vector<1x1x16xf32>
        tpu.vector_store %arg8[%swap3A_393, %swap3A_394, %swap3A_395], %swap3A_398 {add = true, strides = array<i32>} : memref<4x200x64xf32, #tpu.memory_space<vmem>>, vector<1x1x16xf32>,
      }
      %scan3A_268 = arith.constant 200 : i32
      %add3A_269 = arith.addi %mul3A_2, %add3A_223 : i32
      %dma_start3A_270 = arith.constant 2 : i32
      %dma_start3A_271 = arith.constant 0 : i32
      %dma_start3A_272 = arith.constant 0 : i32
      %dma_start3A_273 = tpu.memref_slice %arg8[%dma_start3A_270, %dma_start3A_271, %dma_start3A_272] : memref<4x200x64xf32, #tpu.memory_space<vmem>> -> memref<1x200x64xf32, #tpu.memory_space<vmem>>
      %dma_start3A_274 = tpu.memref_squeeze %dma_start3A_273 : memref<1x200x64xf32, #tpu.memory_space<vmem>> -> memref<200x64xf32, #tpu.memory_space<vmem>>
      %dma_start3A_275 = arith.constant 0 : i32
      %dma_start3A_276 = arith.constant 0 : i32
      %dma_start3A_277 = tpu.memref_slice %arg5[%add3A_269, %dma_start3A_275, %dma_start3A_276] : memref<4096x200x128xf32, #tpu.memory_space<hbm>> -> memref<1x200x64xf32, #tpu.memory_space<hbm>>
      %dma_start3A_278 = tpu.memref_squeeze %dma_start3A_277 : memref<1x200x64xf32, #tpu.memory_space<hbm>> -> memref<200x64xf32, #tpu.memory_space<hbm>>
      %dma_start3A_279 = arith.constant 0 : i32
      %dma_start3A_280 = arith.constant 0 : i32
      %dma_start3A_281 = tpu.memref_slice %arg5[%add3A_269, %dma_start3A_279, %dma_start3A_280] : memref<4096x200x128xf32, #tpu.memory_space<hbm>> -> memref<1x200x64xf32, #tpu.memory_space<hbm>>
      %dma_start3A_282 = tpu.memref_squeeze %dma_start3A_281 : memref<1x200x64xf32, #tpu.memory_space<hbm>> -> memref<200x64xf32, #tpu.memory_space<hbm>>
      %dma_start3A_283 = arith.constant 0 : i32
      %dma_start3A_284 = arith.constant 0 : i32
      %dma_start3A_285 = tpu.memref_slice %arg8[%dma_start3A_270, %dma_start3A_283, %dma_start3A_284] : memref<4x200x64xf32, #tpu.memory_space<vmem>> -> memref<1x200x64xf32, #tpu.memory_space<vmem>>
      %dma_start3A_286 = tpu.memref_squeeze %dma_start3A_285 : memref<1x200x64xf32, #tpu.memory_space<vmem>> -> memref<200x64xf32, #tpu.memory_space<vmem>>
      tpu.enqueue_dma source(%dma_start3A_286 : memref<200x64xf32, #tpu.memory_space<vmem>>) target(%dma_start3A_282 : memref<200x64xf32, #tpu.memory_space<hbm>>) target_semaphore(%arg15 : memref<!tpu.dma_semaphore, #tpu.memory_space<semaphore_mem>>)
      %add3A_287 = arith.constant 3 : i32
      %add3A_288 = arith.addi %add3A_95, %add3A_287 : i32
      %ge3A_289 = arith.constant 2 : i32
      %ge3A_290 = arith.cmpi sge, %add3A_288, %ge3A_289 : i32
      %convert_element_type3A_291 = arith.extui %ge3A_290 : i1 to i32
      %cond3A_292 = arith.constant 0 : i32
      %cond3A_293 = arith.cmpi ne, %convert_element_type3A_291, %cond3A_292 : i32
      scf.if %cond3A_293 {
        %add3A_352 = arith.addi %mul3A_2, %add3A_288 : i32
        %dma_wait3A_353 = arith.constant 1 : i32
        %dma_wait3A_354 = arith.constant 0 : i32
        %dma_wait3A_355 = arith.constant 0 : i32
        %dma_wait3A_356 = tpu.memref_slice %arg8[%dma_wait3A_353, %dma_wait3A_354, %dma_wait3A_355] : memref<4x200x64xf32, #tpu.memory_space<vmem>> -> memref<1x200x64xf32, #tpu.memory_space<vmem>>
        %dma_wait3A_357 = tpu.memref_squeeze %dma_wait3A_356 : memref<1x200x64xf32, #tpu.memory_space<vmem>> -> memref<200x64xf32, #tpu.memory_space<vmem>>
        %dma_wait3A_358 = arith.constant 0 : i32
        %dma_wait3A_359 = arith.constant 0 : i32
        %dma_wait3A_360 = tpu.memref_slice %arg5[%add3A_352, %dma_wait3A_358, %dma_wait3A_359] : memref<4096x200x128xf32, #tpu.memory_space<hbm>> -> memref<1x200x64xf32, #tpu.memory_space<hbm>>
        %dma_wait3A_361 = tpu.memref_squeeze %dma_wait3A_360 : memref<1x200x64xf32, #tpu.memory_space<hbm>> -> memref<200x64xf32, #tpu.memory_space<hbm>>
        %dma_wait3A_362 = arith.constant 0 : i32
        %dma_wait3A_363 = arith.constant 0 : i32
        %dma_wait3A_364 = tpu.memref_slice %arg5[%add3A_352, %dma_wait3A_362, %dma_wait3A_363] : memref<4096x200x128xf32, #tpu.memory_space<hbm>> -> memref<1x200x64xf32, #tpu.memory_space<hbm>>
        %dma_wait3A_365 = tpu.memref_squeeze %dma_wait3A_364 : memref<1x200x64xf32, #tpu.memory_space<hbm>> -> memref<200x64xf32, #tpu.memory_space<hbm>>
        %dma_wait3A_366 = arith.constant 0 : i32
        %dma_wait3A_367 = arith.constant 0 : i32
        %dma_wait3A_368 = tpu.memref_slice %arg8[%dma_wait3A_353, %dma_wait3A_366, %dma_wait3A_367] : memref<4x200x64xf32, #tpu.memory_space<vmem>> -> memref<1x200x64xf32, #tpu.memory_space<vmem>>
        %dma_wait3A_369 = tpu.memref_squeeze %dma_wait3A_368 : memref<1x200x64xf32, #tpu.memory_space<vmem>> -> memref<200x64xf32, #tpu.memory_space<vmem>>
        tpu.wait_dma2 semaphore(%arg14 : memref<!tpu.dma_semaphore, #tpu.memory_space<semaphore_mem>>) src(%dma_wait3A_369 : memref<200x64xf32, #tpu.memory_space<vmem>>) dst(%dma_wait3A_365 : memref<200x64xf32, #tpu.memory_space<hbm>>)
      } else {
      }
      %lt3A_294 = arith.constant 126 : i32
      %lt3A_295 = arith.cmpi slt, %add3A_288, %lt3A_294 : i32
      %convert_element_type3A_296 = arith.extui %lt3A_295 : i1 to i32
      %cond3A_297 = arith.constant 0 : i32
      %cond3A_298 = arith.cmpi ne, %convert_element_type3A_296, %cond3A_297 : i32
      scf.if %cond3A_298 {
        %add3A_352 = arith.constant 2 : i32
        %add3A_353 = arith.addi %add3A_288, %add3A_352 : i32
        %mul3A_354 = arith.constant 2 : i32
        %mul3A_355 = arith.muli %add3A_353, %mul3A_354 : i32
        %add3A_356 = arith.constant 0 : i32
        %add3A_357 = arith.addi %mul3A_355, %add3A_356 : i32
        %dma_start3A_358 = arith.constant 1 : i32
        %dma_start3A_359 = arith.constant 0 : i32
        %dma_start3A_360 = arith.constant 0 : i32
        %dma_start3A_361 = tpu.memref_slice %arg8[%dma_start3A_358, %dma_start3A_359, %dma_start3A_360] : memref<4x200x64xf32, #tpu.memory_space<vmem>> -> memref<1x100x64xf32, #tpu.memory_space<vmem>>
        %dma_start3A_362 = tpu.memref_squeeze %dma_start3A_361 : memref<1x100x64xf32, #tpu.memory_space<vmem>> -> memref<100x64xf32, #tpu.memory_space<vmem>>
        %dma_start3A_363 = arith.constant 0 : i32
        %dma_start3A_364 = tpu.memref_slice %arg6[%add3A_357, %dma_start3A_363] : memref<256x100xi32, #tpu.memory_space<vmem>> -> memref<1x100xi32, #tpu.memory_space<vmem>>
        %dma_start3A_365 = tpu.memref_squeeze %dma_start3A_364 : memref<1x100xi32, #tpu.memory_space<vmem>> -> memref<100xi32, #tpu.memory_space<vmem>>
        %dma_start3A_366 = arith.constant 0 : i32
        %dma_start3A_367 = arith.constant 0 : i32
        %dma_start3A_368 = tpu.memref_slice %arg2[%dma_start3A_366, %dma_start3A_367] : memref<1000000x64xf32, #tpu.memory_space<hbm>> -> memref<1000000x64xf32, #tpu.memory_space<hbm>>
        tpu.enqueue_indirect_dma source(%dma_start3A_368 : memref<1000000x64xf32, #tpu.memory_space<hbm>>) target(%dma_start3A_362 : memref<100x64xf32, #tpu.memory_space<vmem>>) offsets(%dma_start3A_365 : memref<100xi32, #tpu.memory_space<vmem>>) semaphore(%arg10 : memref<!tpu.dma_semaphore, #tpu.memory_space<semaphore_mem>>)
        %mul3A_369 = arith.constant 2 : i32
        %mul3A_370 = arith.muli %add3A_353, %mul3A_369 : i32
        %add3A_371 = arith.constant 1 : i32
        %add3A_372 = arith.addi %mul3A_370, %add3A_371 : i32
        %dma_start3A_373 = arith.constant 1 : i32
        %dma_start3A_374 = arith.constant 100 : i32
        %dma_start3A_375 = arith.constant 0 : i32
        %dma_start3A_376 = tpu.memref_slice %arg8[%dma_start3A_373, %dma_start3A_374, %dma_start3A_375] : memref<4x200x64xf32, #tpu.memory_space<vmem>> -> memref<1x100x64xf32, #tpu.memory_space<vmem>>
        %dma_start3A_377 = tpu.memref_squeeze %dma_start3A_376 : memref<1x100x64xf32, #tpu.memory_space<vmem>> -> memref<100x64xf32, #tpu.memory_space<vmem>>
        %dma_start3A_378 = arith.constant 0 : i32
        %dma_start3A_379 = tpu.memref_slice %arg6[%add3A_372, %dma_start3A_378] : memref<256x100xi32, #tpu.memory_space<vmem>> -> memref<1x100xi32, #tpu.memory_space<vmem>>
        %dma_start3A_380 = tpu.memref_squeeze %dma_start3A_379 : memref<1x100xi32, #tpu.memory_space<vmem>> -> memref<100xi32, #tpu.memory_space<vmem>>
        %dma_start3A_381 = arith.constant 0 : i32
        %dma_start3A_382 = arith.constant 0 : i32
        %dma_start3A_383 = tpu.memref_slice %arg2[%dma_start3A_381, %dma_start3A_382] : memref<1000000x64xf32, #tpu.memory_space<hbm>> -> memref<1000000x64xf32, #tpu.memory_space<hbm>>
        tpu.enqueue_indirect_dma source(%dma_start3A_383 : memref<1000000x64xf32, #tpu.memory_space<hbm>>) target(%dma_start3A_377 : memref<100x64xf32, #tpu.memory_space<vmem>>) offsets(%dma_start3A_380 : memref<100xi32, #tpu.memory_space<vmem>>) semaphore(%arg10 : memref<!tpu.dma_semaphore, #tpu.memory_space<semaphore_mem>>)
      } else {
      }
      %mul3A_299 = arith.constant 2 : i32
      %mul3A_300 = arith.muli %add3A_288, %mul3A_299 : i32
      %add3A_301 = arith.constant 0 : i32
      %add3A_302 = arith.addi %mul3A_300, %add3A_301 : i32
      %dma_wait3A_303 = arith.constant 3 : i32
      %dma_wait3A_304 = arith.constant 0 : i32
      %dma_wait3A_305 = arith.constant 0 : i32
      %dma_wait3A_306 = tpu.memref_slice %arg8[%dma_wait3A_303, %dma_wait3A_304, %dma_wait3A_305] : memref<4x200x64xf32, #tpu.memory_space<vmem>> -> memref<1x100x64xf32, #tpu.memory_space<vmem>>
      %dma_wait3A_307 = tpu.memref_squeeze %dma_wait3A_306 : memref<1x100x64xf32, #tpu.memory_space<vmem>> -> memref<100x64xf32, #tpu.memory_space<vmem>>
      %dma_wait3A_308 = arith.constant 0 : i32
      %dma_wait3A_309 = tpu.memref_slice %arg6[%add3A_302, %dma_wait3A_308] : memref<256x100xi32, #tpu.memory_space<vmem>> -> memref<1x100xi32, #tpu.memory_space<vmem>>
      %dma_wait3A_310 = tpu.memref_squeeze %dma_wait3A_309 : memref<1x100xi32, #tpu.memory_space<vmem>> -> memref<100xi32, #tpu.memory_space<vmem>>
      %dma_wait3A_311 = arith.constant 0 : i32
      %dma_wait3A_312 = arith.constant 0 : i32
      %dma_wait3A_313 = tpu.memref_slice %arg2[%dma_wait3A_311, %dma_wait3A_312] : memref<1000000x64xf32, #tpu.memory_space<hbm>> -> memref<1000000x64xf32, #tpu.memory_space<hbm>>
      tpu.wait_indirect_dma semaphore(%arg12 : memref<!tpu.dma_semaphore, #tpu.memory_space<semaphore_mem>>) src(%dma_wait3A_313 : memref<1000000x64xf32, #tpu.memory_space<hbm>>) dst(%dma_wait3A_307 : memref<100x64xf32, #tpu.memory_space<vmem>>)
      %mul3A_314 = arith.constant 2 : i32
      %mul3A_315 = arith.muli %add3A_288, %mul3A_314 : i32
      %add3A_316 = arith.constant 1 : i32
      %add3A_317 = arith.addi %mul3A_315, %add3A_316 : i32
      %dma_wait3A_318 = arith.constant 3 : i32
      %dma_wait3A_319 = arith.constant 100 : i32
      %dma_wait3A_320 = arith.constant 0 : i32
      %dma_wait3A_321 = tpu.memref_slice %arg8[%dma_wait3A_318, %dma_wait3A_319, %dma_wait3A_320] : memref<4x200x64xf32, #tpu.memory_space<vmem>> -> memref<1x100x64xf32, #tpu.memory_space<vmem>>
      %dma_wait3A_322 = tpu.memref_squeeze %dma_wait3A_321 : memref<1x100x64xf32, #tpu.memory_space<vmem>> -> memref<100x64xf32, #tpu.memory_space<vmem>>
      %dma_wait3A_323 = arith.constant 0 : i32
      %dma_wait3A_324 = tpu.memref_slice %arg6[%add3A_317, %dma_wait3A_323] : memref<256x100xi32, #tpu.memory_space<vmem>> -> memref<1x100xi32, #tpu.memory_space<vmem>>
      %dma_wait3A_325 = tpu.memref_squeeze %dma_wait3A_324 : memref<1x100xi32, #tpu.memory_space<vmem>> -> memref<100xi32, #tpu.memory_space<vmem>>
      %dma_wait3A_326 = arith.constant 0 : i32
      %dma_wait3A_327 = arith.constant 0 : i32
      %dma_wait3A_328 = tpu.memref_slice %arg2[%dma_wait3A_326, %dma_wait3A_327] : memref<1000000x64xf32, #tpu.memory_space<hbm>> -> memref<1000000x64xf32, #tpu.memory_space<hbm>>
      tpu.wait_indirect_dma semaphore(%arg12 : memref<!tpu.dma_semaphore, #tpu.memory_space<semaphore_mem>>) src(%dma_wait3A_328 : memref<1000000x64xf32, #tpu.memory_space<hbm>>) dst(%dma_wait3A_322 : memref<100x64xf32, #tpu.memory_space<vmem>>)
      %scan3A_329 = arith.constant 0 : i32
      %scan3A_330 = arith.constant 200 : i32
      %scan3A_331 = arith.addi %scan3A_329, %scan3A_330 : i32
      %scan3A_332 = arith.constant 1 : i32
      scf.for %scan3A_352 = %scan3A_329 to %scan3A_331 step %scan3A_332  : i32 {
        %mul3A_353 = arith.constant 1 : i32
        %mul3A_354 = arith.muli %scan3A_352, %mul3A_353 : i32
        %add3A_355 = arith.constant 0 : i32
        %add3A_356 = arith.addi %add3A_355, %mul3A_354 : i32
        %get3A = arith.index_cast %add3A_356 : i32 to index
        %get3A_357 = arith.constant 0 : index
        %get3A_358 = tpu.vector_load %arg7[%get3A, %get3A_357] {strides = array<i32>} : memref<200x64xf32, #tpu.memory_space<vmem>>, vector<1x16xf32>,
        %get3A_359 = vector.shape_cast %get3A_358 : vector<1x16xf32> to vector<16xf32>
        %swap3A = arith.constant 3 : i32
        %swap3A_360 = arith.index_cast %swap3A : i32 to index
        %swap3A_361 = arith.index_cast %add3A_356 : i32 to index
        %swap3A_362 = arith.constant 0 : index
        %swap3A_363 = tpu.vector_load %arg8[%swap3A_360, %swap3A_361, %swap3A_362] {strides = array<i32>} : memref<4x200x64xf32, #tpu.memory_space<vmem>>, vector<1x1x16xf32>,
        %swap3A_364 = vector.shape_cast %swap3A_363 : vector<1x1x16xf32> to vector<16xf32>
        %swap3A_365 = vector.shape_cast %get3A_359 : vector<16xf32> to vector<1x1x16xf32>
        tpu.vector_store %arg8[%swap3A_360, %swap3A_361, %swap3A_362], %swap3A_365 {add = true, strides = array<i32>} : memref<4x200x64xf32, #tpu.memory_space<vmem>>, vector<1x1x16xf32>,
        %get3A_366 = arith.index_cast %add3A_356 : i32 to index
        %get3A_367 = arith.constant 16 : index
        %get3A_368 = tpu.vector_load %arg7[%get3A_366, %get3A_367] {strides = array<i32>} : memref<200x64xf32, #tpu.memory_space<vmem>>, vector<1x16xf32>,
        %get3A_369 = vector.shape_cast %get3A_368 : vector<1x16xf32> to vector<16xf32>
        %swap3A_370 = arith.constant 3 : i32
        %swap3A_371 = arith.index_cast %swap3A_370 : i32 to index
        %swap3A_372 = arith.index_cast %add3A_356 : i32 to index
        %swap3A_373 = arith.constant 16 : index
        %swap3A_374 = tpu.vector_load %arg8[%swap3A_371, %swap3A_372, %swap3A_373] {strides = array<i32>} : memref<4x200x64xf32, #tpu.memory_space<vmem>>, vector<1x1x16xf32>,
        %swap3A_375 = vector.shape_cast %swap3A_374 : vector<1x1x16xf32> to vector<16xf32>
        %swap3A_376 = vector.shape_cast %get3A_369 : vector<16xf32> to vector<1x1x16xf32>
        tpu.vector_store %arg8[%swap3A_371, %swap3A_372, %swap3A_373], %swap3A_376 {add = true, strides = array<i32>} : memref<4x200x64xf32, #tpu.memory_space<vmem>>, vector<1x1x16xf32>,
        %get3A_377 = arith.index_cast %add3A_356 : i32 to index
        %get3A_378 = arith.constant 32 : index
        %get3A_379 = tpu.vector_load %arg7[%get3A_377, %get3A_378] {strides = array<i32>} : memref<200x64xf32, #tpu.memory_space<vmem>>, vector<1x16xf32>,
        %get3A_380 = vector.shape_cast %get3A_379 : vector<1x16xf32> to vector<16xf32>
        %swap3A_381 = arith.constant 3 : i32
        %swap3A_382 = arith.index_cast %swap3A_381 : i32 to index
        %swap3A_383 = arith.index_cast %add3A_356 : i32 to index
        %swap3A_384 = arith.constant 32 : index
        %swap3A_385 = tpu.vector_load %arg8[%swap3A_382, %swap3A_383, %swap3A_384] {strides = array<i32>} : memref<4x200x64xf32, #tpu.memory_space<vmem>>, vector<1x1x16xf32>,
        %swap3A_386 = vector.shape_cast %swap3A_385 : vector<1x1x16xf32> to vector<16xf32>
        %swap3A_387 = vector.shape_cast %get3A_380 : vector<16xf32> to vector<1x1x16xf32>
        tpu.vector_store %arg8[%swap3A_382, %swap3A_383, %swap3A_384], %swap3A_387 {add = true, strides = array<i32>} : memref<4x200x64xf32, #tpu.memory_space<vmem>>, vector<1x1x16xf32>,
        %get3A_388 = arith.index_cast %add3A_356 : i32 to index
        %get3A_389 = arith.constant 48 : index
        %get3A_390 = tpu.vector_load %arg7[%get3A_388, %get3A_389] {strides = array<i32>} : memref<200x64xf32, #tpu.memory_space<vmem>>, vector<1x16xf32>,
        %get3A_391 = vector.shape_cast %get3A_390 : vector<1x16xf32> to vector<16xf32>
        %swap3A_392 = arith.constant 3 : i32
        %swap3A_393 = arith.index_cast %swap3A_392 : i32 to index
        %swap3A_394 = arith.index_cast %add3A_356 : i32 to index
        %swap3A_395 = arith.constant 48 : index
        %swap3A_396 = tpu.vector_load %arg8[%swap3A_393, %swap3A_394, %swap3A_395] {strides = array<i32>} : memref<4x200x64xf32, #tpu.memory_space<vmem>>, vector<1x1x16xf32>,
        %swap3A_397 = vector.shape_cast %swap3A_396 : vector<1x1x16xf32> to vector<16xf32>
        %swap3A_398 = vector.shape_cast %get3A_391 : vector<16xf32> to vector<1x1x16xf32>
        tpu.vector_store %arg8[%swap3A_393, %swap3A_394, %swap3A_395], %swap3A_398 {add = true, strides = array<i32>} : memref<4x200x64xf32, #tpu.memory_space<vmem>>, vector<1x1x16xf32>,
      }
      %scan3A_333 = arith.constant 200 : i32
      %add3A_334 = arith.addi %mul3A_2, %add3A_288 : i32
      %dma_start3A_335 = arith.constant 3 : i32
      %dma_start3A_336 = arith.constant 0 : i32
      %dma_start3A_337 = arith.constant 0 : i32
      %dma_start3A_338 = tpu.memref_slice %arg8[%dma_start3A_335, %dma_start3A_336, %dma_start3A_337] : memref<4x200x64xf32, #tpu.memory_space<vmem>> -> memref<1x200x64xf32, #tpu.memory_space<vmem>>
      %dma_start3A_339 = tpu.memref_squeeze %dma_start3A_338 : memref<1x200x64xf32, #tpu.memory_space<vmem>> -> memref<200x64xf32, #tpu.memory_space<vmem>>
      %dma_start3A_340 = arith.constant 0 : i32
      %dma_start3A_341 = arith.constant 0 : i32
      %dma_start3A_342 = tpu.memref_slice %arg5[%add3A_334, %dma_start3A_340, %dma_start3A_341] : memref<4096x200x128xf32, #tpu.memory_space<hbm>> -> memref<1x200x64xf32, #tpu.memory_space<hbm>>
      %dma_start3A_343 = tpu.memref_squeeze %dma_start3A_342 : memref<1x200x64xf32, #tpu.memory_space<hbm>> -> memref<200x64xf32, #tpu.memory_space<hbm>>
      %dma_start3A_344 = arith.constant 0 : i32
      %dma_start3A_345 = arith.constant 0 : i32
      %dma_start3A_346 = tpu.memref_slice %arg5[%add3A_334, %dma_start3A_344, %dma_start3A_345] : memref<4096x200x128xf32, #tpu.memory_space<hbm>> -> memref<1x200x64xf32, #tpu.memory_space<hbm>>
      %dma_start3A_347 = tpu.memref_squeeze %dma_start3A_346 : memref<1x200x64xf32, #tpu.memory_space<hbm>> -> memref<200x64xf32, #tpu.memory_space<hbm>>
      %dma_start3A_348 = arith.constant 0 : i32
      %dma_start3A_349 = arith.constant 0 : i32
      %dma_start3A_350 = tpu.memref_slice %arg8[%dma_start3A_335, %dma_start3A_348, %dma_start3A_349] : memref<4x200x64xf32, #tpu.memory_space<vmem>> -> memref<1x200x64xf32, #tpu.memory_space<vmem>>
      %dma_start3A_351 = tpu.memref_squeeze %dma_start3A_350 : memref<1x200x64xf32, #tpu.memory_space<vmem>> -> memref<200x64xf32, #tpu.memory_space<vmem>>
      tpu.enqueue_dma source(%dma_start3A_351 : memref<200x64xf32, #tpu.memory_space<vmem>>) target(%dma_start3A_347 : memref<200x64xf32, #tpu.memory_space<hbm>>) target_semaphore(%arg16 : memref<!tpu.dma_semaphore, #tpu.memory_space<semaphore_mem>>)
    }
    %scan3A_53 = arith.constant 32 : i32
    %add3A_54 = arith.constant 126 : i32
    %add3A_55 = arith.addi %mul3A_2, %add3A_54 : i32
    %dma_wait3A = arith.constant 2 : i32
    %dma_wait3A_56 = arith.constant 0 : i32
    %dma_wait3A_57 = arith.constant 0 : i32
    %dma_wait3A_58 = tpu.memref_slice %arg8[%dma_wait3A, %dma_wait3A_56, %dma_wait3A_57] : memref<4x200x64xf32, #tpu.memory_space<vmem>> -> memref<1x200x64xf32, #tpu.memory_space<vmem>>
    %dma_wait3A_59 = tpu.memref_squeeze %dma_wait3A_58 : memref<1x200x64xf32, #tpu.memory_space<vmem>> -> memref<200x64xf32, #tpu.memory_space<vmem>>
    %dma_wait3A_60 = arith.constant 0 : i32
    %dma_wait3A_61 = arith.constant 0 : i32
    %dma_wait3A_62 = tpu.memref_slice %arg5[%add3A_55, %dma_wait3A_60, %dma_wait3A_61] : memref<4096x200x128xf32, #tpu.memory_space<hbm>> -> memref<1x200x64xf32, #tpu.memory_space<hbm>>
    %dma_wait3A_63 = tpu.memref_squeeze %dma_wait3A_62 : memref<1x200x64xf32, #tpu.memory_space<hbm>> -> memref<200x64xf32, #tpu.memory_space<hbm>>
    %dma_wait3A_64 = arith.constant 0 : i32
    %dma_wait3A_65 = arith.constant 0 : i32
    %dma_wait3A_66 = tpu.memref_slice %arg5[%add3A_55, %dma_wait3A_64, %dma_wait3A_65] : memref<4096x200x128xf32, #tpu.memory_space<hbm>> -> memref<1x200x64xf32, #tpu.memory_space<hbm>>
    %dma_wait3A_67 = tpu.memref_squeeze %dma_wait3A_66 : memref<1x200x64xf32, #tpu.memory_space<hbm>> -> memref<200x64xf32, #tpu.memory_space<hbm>>
    %dma_wait3A_68 = arith.constant 0 : i32
    %dma_wait3A_69 = arith.constant 0 : i32
    %dma_wait3A_70 = tpu.memref_slice %arg8[%dma_wait3A, %dma_wait3A_68, %dma_wait3A_69] : memref<4x200x64xf32, #tpu.memory_space<vmem>> -> memref<1x200x64xf32, #tpu.memory_space<vmem>>
    %dma_wait3A_71 = tpu.memref_squeeze %dma_wait3A_70 : memref<1x200x64xf32, #tpu.memory_space<vmem>> -> memref<200x64xf32, #tpu.memory_space<vmem>>
    tpu.wait_dma2 semaphore(%arg15 : memref<!tpu.dma_semaphore, #tpu.memory_space<semaphore_mem>>) src(%dma_wait3A_71 : memref<200x64xf32, #tpu.memory_space<vmem>>) dst(%dma_wait3A_67 : memref<200x64xf32, #tpu.memory_space<hbm>>)
    %add3A_72 = arith.constant 127 : i32
    %add3A_73 = arith.addi %mul3A_2, %add3A_72 : i32
    %dma_wait3A_74 = arith.constant 3 : i32
    %dma_wait3A_75 = arith.constant 0 : i32
    %dma_wait3A_76 = arith.constant 0 : i32
    %dma_wait3A_77 = tpu.memref_slice %arg8[%dma_wait3A_74, %dma_wait3A_75, %dma_wait3A_76] : memref<4x200x64xf32, #tpu.memory_space<vmem>> -> memref<1x200x64xf32, #tpu.memory_space<vmem>>
    %dma_wait3A_78 = tpu.memref_squeeze %dma_wait3A_77 : memref<1x200x64xf32, #tpu.memory_space<vmem>> -> memref<200x64xf32, #tpu.memory_space<vmem>>
    %dma_wait3A_79 = arith.constant 0 : i32
    %dma_wait3A_80 = arith.constant 0 : i32
    %dma_wait3A_81 = tpu.memref_slice %arg5[%add3A_73, %dma_wait3A_79, %dma_wait3A_80] : memref<4096x200x128xf32, #tpu.memory_space<hbm>> -> memref<1x200x64xf32, #tpu.memory_space<hbm>>
    %dma_wait3A_82 = tpu.memref_squeeze %dma_wait3A_81 : memref<1x200x64xf32, #tpu.memory_space<hbm>> -> memref<200x64xf32, #tpu.memory_space<hbm>>
    %dma_wait3A_83 = arith.constant 0 : i32
    %dma_wait3A_84 = arith.constant 0 : i32
    %dma_wait3A_85 = tpu.memref_slice %arg5[%add3A_73, %dma_wait3A_83, %dma_wait3A_84] : memref<4096x200x128xf32, #tpu.memory_space<hbm>> -> memref<1x200x64xf32, #tpu.memory_space<hbm>>
    %dma_wait3A_86 = tpu.memref_squeeze %dma_wait3A_85 : memref<1x200x64xf32, #tpu.memory_space<hbm>> -> memref<200x64xf32, #tpu.memory_space<hbm>>
    %dma_wait3A_87 = arith.constant 0 : i32
    %dma_wait3A_88 = arith.constant 0 : i32
    %dma_wait3A_89 = tpu.memref_slice %arg8[%dma_wait3A_74, %dma_wait3A_87, %dma_wait3A_88] : memref<4x200x64xf32, #tpu.memory_space<vmem>> -> memref<1x200x64xf32, #tpu.memory_space<vmem>>
    %dma_wait3A_90 = tpu.memref_squeeze %dma_wait3A_89 : memref<1x200x64xf32, #tpu.memory_space<vmem>> -> memref<200x64xf32, #tpu.memory_space<vmem>>
    tpu.wait_dma2 semaphore(%arg16 : memref<!tpu.dma_semaphore, #tpu.memory_space<semaphore_mem>>) src(%dma_wait3A_90 : memref<200x64xf32, #tpu.memory_space<vmem>>) dst(%dma_wait3A_86 : memref<200x64xf32, #tpu.memory_space<hbm>>)
    return
  }
}

</mosaic_0001>

<sc_bundles>
// kernel: kernel.3.cloned.1.call-start
scs
__scs_entry_jumppad:
0x0: {  	(pc) =	sbr.rel $0x88, $3  }
0x1: {  	(tag) =	ssettag $0x0;
	lr =	simm.s32 $0x1  }
0x2: {  	[smem:$0x3F9E] =	sst lr;
	_ =	strace $0xD0000000  }
0x3: {  	_ = 	snop  }
0x4: {  	_ = 	snop  }
0x5: {  	_ = 	snop  }
0x6: {  	_ = 	snop  }
0x7: {  	_ = 	snop  }
__scs_overlays_trampoline_lowered:
0x8: {  	[smem:$0x3FAD] =	sst s0  }
0x9: {  	[smem:$0x3FAE] =	sst s1  }
0xa: {  	[smem:$0x3FAF] =	sst s2  }
0xb: {  	[smem:$0x3FB0] =	sst s3  }
0xc: {  	[smem:$0x3FB1] =	sst s4  }
0xd: {  	[smem:$0x3FB2] =	sst s5  }
0xe: {  	[smem:$0x3FB3] =	sst s6  }
0xf: {  	[smem:$0x3FB4] =	sst s7  }
0x10: {  	[smem:$0x3FB5] =	sst s8  }
0x11: {  	[smem:$0x3FB6] =	sst s9;
	s0 =	simm.s32 @!p0 $0x0  }
0x12: {  	s1 =	sld [smem:$0x3F9C];
	s0 =	simm.s32 @p0 $0x1  }
0x13: {  	[smem:$0x3FB7] =	sst s0;
	s0 =	simm.s32 @!p1 $0x0  }
0x14: {  	s2 =	sld [smem:$0x3F9B];
	s0 =	simm.s32 @p1 $0x1  }
0x15: {  	[smem:$0x3FB8] =	sst s0;
	s0 =	simm.s32 @!p2 $0x0  }
0x16: {  	s3 =	sld [smem:$0x3FDB];
	s0 =	simm.s32 @p2 $0x1  }
0x17: {  	s4 =	simm.s32 $0x1BF5;
	[smem:$0x3FBA] =	sst s0  }
0x18: {  	s0 =	sld [smem:$0x3F9D];
	_ =	swait.ge [sflag:s4], $0x0  }
0x19: {  	s7 =	sld [smem:$0x3F9E]  }
0x1a: {  	s8 =	sadd.s32 $0xFFFFE003, lr  }
0x1b: {  	s9 =	sadd.s32 $0xFFFFFEF7, lr;
	s5 =	simm.s32 $0xFFFFFFFF;
	p2 =	slt.u32 s8, $0xFFFFF086  }
0x1c: {  	p1 =	slt.u32 s9, $0xF7A;
	s5 =	simm.s32 @!p2 $0x0  }
0x1d: {  	s5 =	simm.s32 @p1 $0x1;
	p0 =	seq.s32 s7, s2  }
0x1e: {  	s7 =	smul.u32 @!p0 $0xF7A, s2;
	p2 =	seq.s32 @!p0 s5, $0x0  }
0x1f: {  	s9 =	smul.u32 $0xF7A, s1;
	s8 =	simm.s32 @!p0 $0x1BF5;
	p2 =	por !p2, p0  }
0x20: {  	[sflag:s8] =	ssyncset.s32 @!p0 $0xFFFFF086;
	s6 =	sadd.s32 @!p0 s3, s7;
	s7 =	simm.s32 @!p0 $0x108  }
0x21: {  	s3 =	sadd.s32 s3, s9;
	s6 =	sadd.s32 @!p0 $0x88, s6;
	s7 =	simm.s32 @p2 $0x1082  }
0x22: {  	[simem:s7], [sflag:s8] =	dma.local @!p0 [hbm:s6], $0xF7A  }
0x23: {  	s9 =	sor.u32 $0xD0000000, s2;
	s6 =	simm.s32 $0x108;
	_ =	swait.ge @!p0 [sflag:s8], $0x0  }
0x24: {  	s3 =	sadd.s32 $0x88, s3;
	s6 =	simm.s32 @!p1 $0x1082;
	[sflag:s4] =	ssyncset.s32 $0xFFFFF086  }
0x25: {  	[simem:s6], [sflag:s4] =	dma.local [hbm:s3], $0xF7A  }
0x26: {  	[smem:$0x3F9E] =	sst s1;
	(tag) =	ssettag s2;
	_ =	strace s9  }
0x27: {  	s1 =	sld [smem:$0x3FAE]  }
0x28: {  	s2 =	sld [smem:$0x3FAF]  }
0x29: {  	s4 =	sld [smem:$0x3FB1]  }
0x2a: {  	p0 =	seq.s32 s5, $0x0;
	s5 =	sld [smem:$0x3FB2]  }
0x2b: {  	s6 =	sld [smem:$0x3FB3]  }
0x2c: {  	s7 =	sld [smem:$0x3FB4]  }
0x2d: {  	s3 =	simm.s32 $0x108;
	s8 =	sld [smem:$0x3FB5]  }
0x2e: {  	s3 =	simm.s32 @!p0 $0x1082;
	s9 =	sld [smem:$0x3FB6]  }
0x2f: {  	lr =	sadd.s32 s0, s3;
	s0 =	sld [smem:$0x3FAD]  }
0x30: {  	s3 =	sld [smem:$0x3FB0]  }
0x31: {  	[smem:$0x3FB9] =	sst s10  }
0x32: {  	s10 =	sld [smem:$0x3FB7];
	_ =	sdelay $0x3  }
0x33: {  	p0 =	seq.s32 s10, $0x1;
	s10 =	sld [smem:$0x3FB9];
	_ =	sdelay $0x3  }
0x34: {  	[smem:$0x3FB9] =	sst s10  }
0x35: {  	s10 =	sld [smem:$0x3FB8];
	_ =	sdelay $0x3  }
0x36: {  	p1 =	seq.s32 s10, $0x1;
	s10 =	sld [smem:$0x3FB9];
	_ =	sdelay $0x3  }
0x37: {  	[smem:$0x3FB9] =	sst s10  }
0x38: {  	s10 =	sld [smem:$0x3FBA]  }
0x39: {  	_ = 	snop;
	(pc) =	sbr.ind lr, $3  }
0x3a: {  	_ = 	snop  }
0x3b: {  	_ = 	snop  }
0x3c: {  	p2 =	seq.s32 s10, $0x1;
	s10 =	sld [smem:$0x3FB9]  }
0x3d: {  	_ =	shalt  }
0x3e: {  	_ =	shalt  }
0x3f: {  	_ =	shalt  }
0x40: {  	_ =	shalt  }
0x41: {  	_ =	shalt  }
0x42: {  	_ =	shalt  }
0x43: {  	_ =	shalt  }
0x44: {  	_ =	shalt  }
0x45: {  	_ =	shalt  }
0x46: {  	_ =	shalt  }
0x47: {  	_ =	shalt  }
0x48: {  	_ =	shalt  }
0x49: {  	_ =	shalt  }
0x4a: {  	_ =	shalt  }
0x4b: {  	_ =	shalt  }
0x4c: {  	_ =	shalt  }
0x4d: {  	_ =	shalt  }
0x4e: {  	_ =	shalt  }
0x4f: {  	_ =	shalt  }
0x50: {  	_ =	shalt  }
0x51: {  	_ =	shalt  }
0x52: {  	_ =	shalt  }
0x53: {  	_ =	shalt  }
0x54: {  	_ =	shalt  }
0x55: {  	_ =	shalt  }
0x56: {  	_ =	shalt  }
0x57: {  	_ =	shalt  }
0x58: {  	_ =	shalt  }
0x59: {  	_ =	shalt  }
0x5a: {  	_ =	shalt  }
0x5b: {  	_ =	shalt  }
0x5c: {  	_ =	shalt  }
0x5d: {  	_ =	shalt  }
0x5e: {  	_ =	shalt  }
0x5f: {  	_ =	shalt  }
0x60: {  	_ =	shalt  }
0x61: {  	_ =	shalt  }
0x62: {  	_ =	shalt  }
0x63: {  	_ =	shalt  }
0x64: {  	_ =	shalt  }
0x65: {  	_ =	shalt  }
0x66: {  	_ =	shalt  }
0x67: {  	_ =	shalt  }
0x68: {  	_ =	shalt  }
0x69: {  	_ =	shalt  }
0x6a: {  	_ =	shalt  }
0x6b: {  	_ =	shalt  }
0x6c: {  	_ =	shalt  }
0x6d: {  	_ =	shalt  }
0x6e: {  	_ =	shalt  }
0x6f: {  	_ =	shalt  }
0x70: {  	_ =	shalt  }
0x71: {  	_ =	shalt  }
0x72: {  	_ =	shalt  }
0x73: {  	_ =	shalt  }
0x74: {  	_ =	shalt  }
0x75: {  	_ =	shalt  }
0x76: {  	_ =	shalt  }
0x77: {  	_ =	shalt  }
0x78: {  	_ =	shalt  }
0x79: {  	_ =	shalt  }
0x7a: {  	_ =	shalt  }
0x7b: {  	_ =	shalt  }
0x7c: {  	_ =	shalt  }
0x7d: {  	_ =	shalt  }
0x7e: {  	_ =	shalt  }
0x7f: {  	_ =	shalt  }
0x80: {  	_ =	shalt  }
0x81: {  	_ =	shalt  }
0x82: {  	_ =	shalt  }
0x83: {  	_ =	shalt  }
0x84: {  	_ =	shalt  }
0x85: {  	_ =	shalt  }
0x86: {  	_ =	shalt  }
0x87: {  	_ =	shalt  }
.Lfunc_end0:
.L_simem_size_0:
called_computation.1_lowered:
.L_overlay_start_0:
0x88: {  	s2 =	sld [smem:$0x3FD9]  }
0x89: {  	s3 =	sld [smem:$0x3FFE];
	_ =	sdelay $0x1  }
0x8a: {  	s1 =	srdreg.scid  }
0x8b: {  	s0 =	sand.u32 $0x1, s1  }
0x8c: {  	s17 =	sshll.u32 s0, $0xA;
	s2 =	sadd.s32 s3, s2  }
0x8d: {  	s2 =	sadd.s32 s2, s17  }
0x8e: {  	[smem:$0x3FC5] =	sst s2  }
0x8f: {  	_ = 	snop  }
0x90: {  	s2 =	sld [smem:$0x3FD0];
	(tm) =	ssettm $0x1  }
0x91: {  	s18 =	sld [smem:$0x3FFB];
	_ =	sdelay $0x3  }
0x92: {  	_ =	strace s18  }
0x93: {  	s3 =	sld [smem:$0x3FFC];
	_ =	sdelay $0x3  }
0x94: {  	_ =	strace s3  }
0x95: {  	s3 =	sld [smem:$0x3FFD];
	_ =	sdelay $0x3  }
0x96: {  	_ =	strace s3  }
0x97: {  	_ =	strace $0x8FFFFFFF  }
0x98: {  	s19 =	sld [smem:$0x3FDB];
	_ =	sdelay $0x1  }
0x99: {  	s4 =	simm.s32 $_scs_section_size  }
0x9a: {  	s5 =	simm.s32 $_size__tile_overlayer_lowered;
	s6 =	simm.s32 $_tile_overlayer_lowered  }
0x9b: {  	s22 =	simm.s32 $0x1BFF;
	s21 =	sshll.u32 s6, $0x1;
	s3 =	sadd.s32 s4, s19  }
0x9c: {  	s7 =	simm.s32 $0x0;
	s20 =	sshll.u32 s5, $0x1;
	s5 =	sadd.s32 s21, s3  }
0x9d: {  	[timem:s7], [sflag:s22] =	dma.local [hbm:s5], s20  }
0x9e: {  	_ =	swait.ge [sflag:s22], s20  }
0x9f: {  	s4 =	ssub.s32 $0x0, s20;
	[sflag:s22] =	ssyncset.done $0x0  }
0xa0: {  	[sflag:s22] =	ssyncadd.s32 s4;
	_ =	sdelay $0x1  }
0xa1: {  	s23 =	simm.s32 $0x1B8B  }
0xa2: {  	_ =	swait.ge [sflag:s23], $0x1  }
0xa3: {  	[sflag:s23] =	ssyncset.done $0x0  }
0xa4: {  	s25 =	simm.s32 $0x1B8E;
	s24 =	sld [smem:$0x3FFE];
	[sflag:s23] =	ssyncadd.s32 $0xFFFFFFFF  }
0xa5: {  	s26 =	simm.s32 $execute0_lowered;
	[smem:$0x3FD2] =	sst s25  }
0xa6: {  	s5 =	sshll.u32 s26, $0x1;
	_ =	strace $0x80000046;
	[dreg:$0x1] =	wrdreg $0xFFFFFFFF  }
0xa7: {  	s28 =	simm.s32 $_size_execute0_lowered;
	s3 =	sadd.s32 s3, s5;
	[dreg:$0x0] =	wrdreg $0x0  }
0xa8: {  	s5 =	sshll.u32 s28, $0x1;
	[dreg:$0x2] =	wrdreg s3  }
0xa9: {  	[dreg:$0x3] =	wrdreg s5  }
0xaa: {  	[dreg:$0x4] =	wrdreg $0xC0  }
0xab: {  	_ =	task [dreg:s7], $0x5FFFF  }
0xac: {  	[dreg:$0x1] =	wrdreg $0xFFFFFFFF  }
0xad: {  	[dreg:$0x0] =	wrdreg $0x60  }
0xae: {  	[dreg:$0x2] =	wrdreg s24  }
0xaf: {  	[dreg:$0x3] =	wrdreg s2  }
0xb0: {  	[dreg:$0x4] =	wrdreg $0x9  }
0xb1: {  	_ =	task.clear_ibuf [dreg:s7], $0x5FFFF;
	_ =	strace $0x90000046  }
0xb2: {  	s29 =	simm.s32 $0x9;
	_ =	strace $0x80000048  }
0xb3: {  	_ =	swait.ge [sflag:s29], $0x1  }
0xb4: {  	[sflag:s29] =	ssyncadd.s32 $0xFFFFFFFF  }
0xb5: {  	_ =	strace $0x90000048  }
0xb6: {  	_ =	sfence  }
0xb7: {  	s30 =	sld [smem:$0x0];
	_ =	sdelay $0x2  }
0xb8: {  	s31 =	sshll.u32 s1, $0xD;
	s1 =	sshrl.u32 s1, $0x2  }
0xb9: {  	s3 =	sand.u32 $0x4000, s31;
	s1 =	sadd.s32 s1, s30  }
0xba: {  	s0 =	sor.u32 s3, s0;
	s1 =	sshll.u32 s1, $0x11  }
0xbb: {  	s0 =	sor.u32 s1, s0  }
0xbc: {  	s0 =	sadd.s32 $0x8F2B, s0  }
0xbd: {  	[sflag:s0] =	ssyncadd.remote.s32 $0x1  }
0xbe: {  	_ =	sfence.sel $0xFFFF  }
0xbf: {  	[dreg:$0x0] =	wrdreg $0xFFFFFFFF;
	(pc) =	sbr.abs _section_cstart, $3  }
0xc0: {  	[dreg:$0x1] =	wrdreg $0xFFFFFFFF  }
0xc1: {  	_ =	task.clear_ibuf [dreg:s7], $0x2FFFF;
	_ =	strace $0x9FFFFFFF  }
0xc2: {  	(tm) =	ssettm $0x7FFFFFFF  }
0xc3: {  	_ =	shalt  }
tec
execute0_lowered:
.L_overlay_start_1:
0x0: {  	(tag) =	ssettag $0x1  }
0x1: {  	s0 =	rddreg [dreg:$0x0]  }
0x2: {  	s1 =	rddreg [dreg:$0x1]  }
0x3: {  	s3 =	srdreg.scid;
	s4 =	stileid.u32;
	s2 =	simm.s32 $0x0  }
0x4: {  	s9 =	simm.s32 $0x9;
	s11 =	simm.s32 $0x64;
	s12 =	simm.s32 $0x9A00  }
0x5: {  	s16 =	simm.s32 $0xCC00;
	s19 =	simm.s32 $0xFE00;
	s20 =	simm.s32 $0x11700  }
0x6: {  	s21 =	simm.s32 $0x1;
	s22 =	simm.s32 $0x40;
	s23 =	simm.s32 $0x80  }
0x7: {  	s24 =	simm.s32 $0x13000;
	s25 =	simm.s32 $0x14900;
	s28 =	simm.s32 $0x5  }
0x8: {  	s29 =	simm.s32 $0x3;
	s30 =	simm.s32 $0x6;
	s31 =	simm.s32 $0x4  }
0x9: {  	s10 =	simm.s32 $0x0;
	s3 =	sand.u32 $0x1, s3;
	s4 =	sshll.u32 s4, $0x1  }
0xa: {  	[smem:$0x7FF] =	sst s2;
	s5 =	sadd.s32 $0xC00, s0;
	s4 =	sor.u32 s3, s4  }
0xb: {  	_ =	strace $0x80000047;
	s6 =	ssub.s32 $0x2, s3;
	s3 =	sadd.s32 $0xF43000, s0  }
0xc: {  	[dreg:$0x3] =	wrdreg s5;
	s7 =	smul.u32 $0xD00, s4;
	s8 =	sshrl.u32 s6, $0x1  }
0xd: {  	s5 =	sadd.s32 $0x1400, s0;
	s0 =	simm.s32 $0x7;
	s26 =	ssub.s32 s6, s8  }
0xe: {  	s1 =	sadd.s32 s1, s7;
	s7 =	sshll.u32 s4, $0x7;
	s8 =	smax.u32 s26, $0x1  }
0xf: {  	s26 =	simm.s32 $0x2;
	[dreg:$0x4] =	wrdreg s1;
	s1 =	simm.s32 $0x8  }
.LBB2_1:
0x10: {  	s4 =	rddreg [dreg:$0x4]  }
0x11: {  	[tilespmem:s2], [sflag:$0x9] =	stream.linear.gather [hbm4b:s4+s2], $0x6800, $0x38;
	[tilespmem:$0x16200] =	vst v63  }
0x12: {  	_ =	swait.ge [sflag:s9], $0x6800  }
0x13: {  	[sflag:s9] =	ssyncset.done $0x0  }
0x14: {  	s6 =	simm.s32 $0x6800;
	s18 =	rddreg [dreg:$0x3];
	[sflag:s9] =	ssyncadd.s32 $0xFFFF9800  }
0x15: {  	[tilespmem:s6], [sflag:$0x9] =	stream.linear.gather [hbm4b:s18+s2], $0x3200, $0x38;
	[tilespmem:$0x16200] =	vst v63  }
0x16: {  	_ =	swait.ge [sflag:s9], $0x3200  }
0x17: {  	[sflag:s9] =	ssyncset.done $0x0  }
0x18: {  	[sflag:s9] =	ssyncadd.s32 $0xFFFFCE00  }
0x19: {  	[tilespmem:s12], [sflag:$0x1] =	stream.indirect.gather [hbm4b:s3+s11], $0x40, s2, s11, $0xb8;
	[tilespmem:$0x16200] =	vst v63  }
0x1a: {  	s13 =	simm.s32 $0x68;
	s14 =	simm.s32 $0xB300  }
0x1b: {  	[tilespmem:s14], [sflag:$0x1] =	stream.indirect.gather [hbm4b:s3+s11], $0x40, s13, s11, $0xb8;
	[tilespmem:$0x16200] =	vst v63  }
0x1c: {  	s15 =	simm.s32 $0xD0  }
0x1d: {  	[tilespmem:s16], [sflag:$0x2] =	stream.indirect.gather [hbm4b:s3+s11], $0x40, s15, s11, $0xb8;
	[tilespmem:$0x16200] =	vst v63  }
0x1e: {  	s17 =	simm.s32 $0x138;
	s18 =	simm.s32 $0xE500;
	s13 =	simm.s32 $0x0  }
0x1f: {  	[tilespmem:s18], [sflag:$0x2] =	stream.indirect.gather [hbm4b:s3+s11], $0x40, s17, s11, $0xb8;
	[tilespmem:$0x16200] =	vst v63  }
.LBB2_2:
0x20: {  	p0 =	seq.s32 s13, $0x0  }
0x21: {  	s6 =	smul.u32 $0xD00, s13;
	s4 =	simm.s32 @!p0 $0x7  }
0x22: {  	_ =	swait.ge @!p0 [sflag:s4], $0x3200  }
0x23: {  	s14 =	sshra.s32 s6, $0x2;
	[sflag:s4] =	ssyncset.done @!p0 $0x0  }
0x24: {  	s17 =	sadd.s32 $0x1A0, s14;
	[sflag:s4] =	ssyncadd.s32 @!p0 $0xFFFFCE00  }
0x25: {  	[tilespmem:s19], [sflag:$0x3] =	stream.indirect.gather [hbm4b:s3+s11], $0x40, s17, s11, $0xb8;
	[tilespmem:$0x16200] =	vst v63  }
0x26: {  	s18 =	sadd.s32 $0x208, s14  }
0x27: {  	[tilespmem:s20], [sflag:$0x3] =	stream.indirect.gather [hbm4b:s3+s11], $0x40, s18, s11, $0xb8;
	[tilespmem:$0x16200] =	vst v63  }
0x28: {  	_ =	swait.ge [sflag:s21], $0x1900  }
0x29: {  	[sflag:s21] =	ssyncset.done $0x0  }
0x2a: {  	[sflag:s21] =	ssyncadd.s32 $0xFFFFE700  }
0x2b: {  	_ =	swait.ge [sflag:s21], $0x1900  }
0x2c: {  	[sflag:s21] =	ssyncset.done $0x0  }
0x2d: {  	s17 =	simm.s32 $0x0;
	[sflag:s21] =	ssyncadd.s32 $0xFFFFE700  }
0x2e: {  	v1 =	vld [tilespmem:s17+$0x6830]  }
0x2f: {  	v2 =	vld [tilespmem:s17+$0x6800]  }
0x30: {  	v3 =	vld [tilespmem:s17+$0x6810]  }
0x31: {  	v0 =	vld [tilespmem:s17+$0x6820];
	_ =	sdelay $0x1  }
0x32: {  	[tilespmem:s17+$0x9A30] =	vst.add.f32.msk $0xffff, v1  }
0x33: {  	[tilespmem:s17+$0x9A00] =	vst.add.f32.msk $0xffff, v2  }
0x34: {  	s15 =	sshll.u32 s13, $0x2;
	s4 =	simm.s32 $0x200;
	s18 =	simm.s32 $0x40;
	[tilespmem:s17+$0x9A10] =	vst.add.f32.msk $0xffff, v3  }
.LBB2_3:
0x35: {  	p1 =	sne.s32 s4, $0xC700;
	v1 =	vld [tilespmem:s18+$0x6830];
	v2 =	vmov v0  }
0x36: {  	v3 =	vld [tilespmem:s18+$0x6800]  }
0x37: {  	v4 =	vld [tilespmem:s18+$0x6810]  }
.Ltmp0:
0x38: {  	v0 =	vld [tilespmem:s18+$0x6820];
	(pc) =	sbr.rel @p1 .LBB2_3-.Ltmp0, $4  }
0x39: {  	[tilespmem:s17+$0x9A20] =	vst.add.f32.msk $0xffff, v2;
	s17 =	smov.u32 s18  }
0x3a: {  	[tilespmem:s17+$0x9A30] =	vst.add.f32.msk $0xffff, v1  }
0x3b: {  	[tilespmem:s17+$0x9A00] =	vst.add.f32.msk $0xffff, v3  }
0x3c: {  	s18 =	sshra.s32 s4, $0x2;
	s4 =	sadd.s32 $0x100, s4;
	[tilespmem:s17+$0x9A10] =	vst.add.f32.msk $0xffff, v4  }
0x3d: {  	v1 =	vld [tilespmem:s18+$0x6830]  }
0x3e: {  	v2 =	vld [tilespmem:s18+$0x6800]  }
0x3f: {  	v3 =	vld [tilespmem:s18+$0x6810]  }
0x40: {  	v4 =	vld [tilespmem:s18+$0x6820]  }
0x41: {  	[tilespmem:s17+$0x9A20] =	vst.add.f32.msk $0xffff, v0  }
0x42: {  	s4 =	sadd.s32 s7, s15;
	[tilespmem:s18+$0x9A30] =	vst.add.f32.msk $0xffff, v1  }
0x43: {  	s4 =	smul.u32 $0xC80, s4;
	[tilespmem:s18+$0x9A00] =	vst.add.f32.msk $0xffff, v2  }
0x44: {  	[tilespmem:s18+$0x9A10] =	vst.add.f32.msk $0xffff, v3  }
0x45: {  	s4 =	sadd.s32 s5, s4;
	[tilespmem:s18+$0x9A20] =	vst.add.f32.msk $0xffff, v4  }
0x46: {  	[hbm4b:s4+s22] =	stream.strided.scatter [tilespmem:s12], [sflag:$0x5], $0x3200, s23, s22, $0x38;
	[tilespmem:$0x16200] =	vst v63  }
0x47: {  	s4 =	simm.s32 @!p0 $0x8  }
0x48: {  	_ =	swait.ge @!p0 [sflag:s4], $0x3200  }
0x49: {  	[sflag:s4] =	ssyncset.done @!p0 $0x0  }
0x4a: {  	s17 =	sadd.s32 $0x270, s14;
	[sflag:s4] =	ssyncadd.s32 @!p0 $0xFFFFCE00  }
0x4b: {  	[tilespmem:s24], [sflag:$0x4] =	stream.indirect.gather [hbm4b:s3+s11], $0x40, s17, s11, $0xb8;
	[tilespmem:$0x16200] =	vst v63  }
0x4c: {  	s18 =	sadd.s32 $0x2D8, s14  }
0x4d: {  	[tilespmem:s25], [sflag:$0x4] =	stream.indirect.gather [hbm4b:s3+s11], $0x40, s18, s11, $0xb8;
	[tilespmem:$0x16200] =	vst v63  }
0x4e: {  	_ =	swait.ge [sflag:s26], $0x1900  }
0x4f: {  	[sflag:s26] =	ssyncset.done $0x0  }
0x50: {  	[sflag:s26] =	ssyncadd.s32 $0xFFFFE700  }
0x51: {  	_ =	swait.ge [sflag:s26], $0x1900  }
0x52: {  	[sflag:s26] =	ssyncset.done $0x0  }
0x53: {  	s17 =	simm.s32 $0x0;
	[sflag:s26] =	ssyncadd.s32 $0xFFFFE700  }
0x54: {  	v1 =	vld [tilespmem:s17+$0x6830]  }
0x55: {  	v2 =	vld [tilespmem:s17+$0x6800]  }
0x56: {  	v3 =	vld [tilespmem:s17+$0x6810]  }
0x57: {  	v0 =	vld [tilespmem:s17+$0x6820];
	_ =	sdelay $0x1  }
0x58: {  	[tilespmem:s17+$0xCC30] =	vst.add.f32.msk $0xffff, v1  }
0x59: {  	[tilespmem:s17+$0xCC00] =	vst.add.f32.msk $0xffff, v2  }
0x5a: {  	s6 =	simm.s32 $0x200;
	s4 =	simm.s32 $0x40;
	s18 =	sor.u32 $0x1, s15;
	[tilespmem:s17+$0xCC10] =	vst.add.f32.msk $0xffff, v3  }
.LBB2_5:
0x5b: {  	p0 =	sne.s32 s6, $0xC700;
	v1 =	vld [tilespmem:s4+$0x6830];
	v2 =	vmov v0  }
0x5c: {  	v3 =	vld [tilespmem:s4+$0x6800]  }
0x5d: {  	v4 =	vld [tilespmem:s4+$0x6810]  }
.Ltmp1:
0x5e: {  	v0 =	vld [tilespmem:s4+$0x6820];
	(pc) =	sbr.rel @p0 .LBB2_5-.Ltmp1, $4  }
0x5f: {  	[tilespmem:s17+$0xCC20] =	vst.add.f32.msk $0xffff, v2;
	s17 =	smov.u32 s4  }
0x60: {  	[tilespmem:s17+$0xCC30] =	vst.add.f32.msk $0xffff, v1  }
0x61: {  	[tilespmem:s17+$0xCC00] =	vst.add.f32.msk $0xffff, v3  }
0x62: {  	s4 =	sshra.s32 s6, $0x2;
	s6 =	sadd.s32 $0x100, s6;
	[tilespmem:s17+$0xCC10] =	vst.add.f32.msk $0xffff, v4  }
0x63: {  	v1 =	vld [tilespmem:s4+$0x6830]  }
0x64: {  	v2 =	vld [tilespmem:s4+$0x6800]  }
0x65: {  	v3 =	vld [tilespmem:s4+$0x6810]  }
0x66: {  	v4 =	vld [tilespmem:s4+$0x6820]  }
0x67: {  	[tilespmem:s17+$0xCC20] =	vst.add.f32.msk $0xffff, v0  }
0x68: {  	s6 =	sadd.s32 s7, s18;
	[tilespmem:s4+$0xCC30] =	vst.add.f32.msk $0xffff, v1  }
0x69: {  	s6 =	smul.u32 $0xC80, s6;
	[tilespmem:s4+$0xCC00] =	vst.add.f32.msk $0xffff, v2  }
0x6a: {  	[tilespmem:s4+$0xCC10] =	vst.add.f32.msk $0xffff, v3  }
0x6b: {  	s17 =	sor.u32 $0x2, s15;
	s18 =	sadd.s32 s5, s6;
	[tilespmem:s4+$0xCC20] =	vst.add.f32.msk $0xffff, v4  }
0x6c: {  	[hbm4b:s18+s22] =	stream.strided.scatter [tilespmem:s16], [sflag:$0x6], $0x3200, s23, s22, $0x38;
	[tilespmem:$0x16200] =	vst v63  }
0x6d: {  	p0 =	sgt.u32 s17, $0x7D;
	_ =	swait.ge [sflag:s28], $0x3200  }
0x6e: {  	s6 =	simm.s32 @!p0 $0x64;
	[sflag:s28] =	ssyncset.done $0x0  }
0x6f: {  	s4 =	sadd.s32 @!p0 $0x340, s14;
	s18 =	simm.s32 @!p0 $0x9A00;
	[sflag:s28] =	ssyncadd.s32 $0xFFFFCE00  }
0x70: {  	[tilespmem:s18], [sflag:$0x1] =	stream.indirect.gather @!p0 [hbm4b:s3+s6], $0x40, s4, s6, $0xb8;
	[tilespmem:$0x16200] =	vst v63  }
0x71: {  	s4 =	sadd.s32 @!p0 $0x3A8, s14;
	s18 =	simm.s32 @!p0 $0xB300  }
0x72: {  	[tilespmem:s18], [sflag:$0x1] =	stream.indirect.gather @!p0 [hbm4b:s3+s6], $0x40, s4, s6, $0xb8;
	[tilespmem:$0x16200] =	vst v63  }
0x73: {  	_ =	swait.ge [sflag:s29], $0x1900  }
0x74: {  	[sflag:s29] =	ssyncset.done $0x0  }
0x75: {  	[sflag:s29] =	ssyncadd.s32 $0xFFFFE700  }
0x76: {  	_ =	swait.ge [sflag:s29], $0x1900  }
0x77: {  	[sflag:s29] =	ssyncset.done $0x0  }
0x78: {  	s18 =	simm.s32 $0x0;
	[sflag:s29] =	ssyncadd.s32 $0xFFFFE700  }
0x79: {  	v1 =	vld [tilespmem:s18+$0x6830]  }
0x7a: {  	v2 =	vld [tilespmem:s18+$0x6800]  }
0x7b: {  	v3 =	vld [tilespmem:s18+$0x6810]  }
0x7c: {  	v0 =	vld [tilespmem:s18+$0x6820];
	_ =	sdelay $0x1  }
0x7d: {  	[tilespmem:s18+$0xFE30] =	vst.add.f32.msk $0xffff, v1  }
0x7e: {  	[tilespmem:s18+$0xFE00] =	vst.add.f32.msk $0xffff, v2  }
0x7f: {  	s4 =	simm.s32 $0x40;
	s6 =	simm.s32 $0x200;
	[tilespmem:s18+$0xFE10] =	vst.add.f32.msk $0xffff, v3  }
.LBB2_7:
0x80: {  	p0 =	sne.s32 s6, $0xC700;
	v1 =	vld [tilespmem:s4+$0x6830];
	v2 =	vmov v0  }
0x81: {  	v3 =	vld [tilespmem:s4+$0x6800]  }
0x82: {  	v4 =	vld [tilespmem:s4+$0x6810]  }
.Ltmp2:
0x83: {  	v0 =	vld [tilespmem:s4+$0x6820];
	(pc) =	sbr.rel @p0 .LBB2_7-.Ltmp2, $4  }
0x84: {  	[tilespmem:s18+$0xFE20] =	vst.add.f32.msk $0xffff, v2;
	s18 =	smov.u32 s4  }
0x85: {  	[tilespmem:s18+$0xFE30] =	vst.add.f32.msk $0xffff, v1  }
0x86: {  	[tilespmem:s18+$0xFE00] =	vst.add.f32.msk $0xffff, v3  }
0x87: {  	s4 =	sshra.s32 s6, $0x2;
	s6 =	sadd.s32 $0x100, s6;
	[tilespmem:s18+$0xFE10] =	vst.add.f32.msk $0xffff, v4  }
0x88: {  	v1 =	vld [tilespmem:s4+$0x6830]  }
0x89: {  	v2 =	vld [tilespmem:s4+$0x6800]  }
0x8a: {  	v3 =	vld [tilespmem:s4+$0x6810]  }
0x8b: {  	v4 =	vld [tilespmem:s4+$0x6820]  }
0x8c: {  	[tilespmem:s18+$0xFE20] =	vst.add.f32.msk $0xffff, v0  }
0x8d: {  	s6 =	sadd.s32 s7, s17;
	[tilespmem:s4+$0xFE30] =	vst.add.f32.msk $0xffff, v1  }
0x8e: {  	s6 =	smul.u32 $0xC80, s6;
	[tilespmem:s4+$0xFE00] =	vst.add.f32.msk $0xffff, v2  }
0x8f: {  	[tilespmem:s4+$0xFE10] =	vst.add.f32.msk $0xffff, v3  }
0x90: {  	s15 =	sor.u32 $0x3, s15;
	s18 =	sadd.s32 s5, s6;
	[tilespmem:s4+$0xFE20] =	vst.add.f32.msk $0xffff, v4  }
0x91: {  	[hbm4b:s18+s22] =	stream.strided.scatter [tilespmem:s19], [sflag:$0x7], $0x3200, s23, s22, $0x38;
	[tilespmem:$0x16200] =	vst v63  }
0x92: {  	p0 =	sgt.u32 s15, $0x7D;
	_ =	swait.ge [sflag:s30], $0x3200  }
0x93: {  	s17 =	simm.s32 @!p0 $0xCC00;
	[sflag:s30] =	ssyncset.done $0x0  }
0x94: {  	s6 =	simm.s32 @!p0 $0x64;
	s4 =	sadd.s32 @!p0 $0x410, s14;
	[sflag:s30] =	ssyncadd.s32 $0xFFFFCE00  }
0x95: {  	[tilespmem:s17], [sflag:$0x2] =	stream.indirect.gather @!p0 [hbm4b:s3+s6], $0x40, s4, s6, $0xb8;
	[tilespmem:$0x16200] =	vst v63  }
0x96: {  	s4 =	sadd.s32 @!p0 $0x478, s14;
	s14 =	simm.s32 @!p0 $0xE500  }
0x97: {  	[tilespmem:s14], [sflag:$0x2] =	stream.indirect.gather @!p0 [hbm4b:s3+s6], $0x40, s4, s6, $0xb8;
	[tilespmem:$0x16200] =	vst v63  }
0x98: {  	_ =	swait.ge [sflag:s31], $0x1900  }
0x99: {  	[sflag:s31] =	ssyncset.done $0x0  }
0x9a: {  	[sflag:s31] =	ssyncadd.s32 $0xFFFFE700  }
0x9b: {  	_ =	swait.ge [sflag:s31], $0x1900  }
0x9c: {  	[sflag:s31] =	ssyncset.done $0x0  }
0x9d: {  	s14 =	simm.s32 $0x0;
	[sflag:s31] =	ssyncadd.s32 $0xFFFFE700  }
0x9e: {  	v1 =	vld [tilespmem:s14+$0x6830]  }
0x9f: {  	v2 =	vld [tilespmem:s14+$0x6800]  }
0xa0: {  	v3 =	vld [tilespmem:s14+$0x6810]  }
0xa1: {  	v0 =	vld [tilespmem:s14+$0x6820];
	_ =	sdelay $0x1  }
0xa2: {  	[tilespmem:s14+$0x13030] =	vst.add.f32.msk $0xffff, v1  }
0xa3: {  	[tilespmem:s14+$0x13000] =	vst.add.f32.msk $0xffff, v2  }
0xa4: {  	s4 =	simm.s32 $0x40;
	s6 =	simm.s32 $0x200;
	[tilespmem:s14+$0x13010] =	vst.add.f32.msk $0xffff, v3  }
.LBB2_9:
0xa5: {  	p0 =	sne.s32 s6, $0xC700;
	v1 =	vld [tilespmem:s4+$0x6830];
	v2 =	vmov v0  }
0xa6: {  	v3 =	vld [tilespmem:s4+$0x6800]  }
0xa7: {  	v4 =	vld [tilespmem:s4+$0x6810]  }
.Ltmp3:
0xa8: {  	v0 =	vld [tilespmem:s4+$0x6820];
	(pc) =	sbr.rel @p0 .LBB2_9-.Ltmp3, $4  }
0xa9: {  	[tilespmem:s14+$0x13020] =	vst.add.f32.msk $0xffff, v2;
	s14 =	smov.u32 s4  }
0xaa: {  	[tilespmem:s14+$0x13030] =	vst.add.f32.msk $0xffff, v1  }
0xab: {  	[tilespmem:s14+$0x13000] =	vst.add.f32.msk $0xffff, v3  }
0xac: {  	s4 =	sshra.s32 s6, $0x2;
	s6 =	sadd.s32 $0x100, s6;
	[tilespmem:s14+$0x13010] =	vst.add.f32.msk $0xffff, v4  }
0xad: {  	v1 =	vld [tilespmem:s4+$0x6830]  }
0xae: {  	v2 =	vld [tilespmem:s4+$0x6800]  }
0xaf: {  	v3 =	vld [tilespmem:s4+$0x6810]  }
0xb0: {  	v4 =	vld [tilespmem:s4+$0x6820];
	s13 =	sadd.s32 $0x1, s13  }
0xb1: {  	[tilespmem:s14+$0x13020] =	vst.add.f32.msk $0xffff, v0;
	p0 =	sne.s32 s13, $0x20  }
.Ltmp4:
0xb2: {  	s6 =	sadd.s32 s7, s15;
	[tilespmem:s4+$0x13030] =	vst.add.f32.msk $0xffff, v1;
	(pc) =	sbr.rel @p0 .LBB2_2-.Ltmp4, $4  }
0xb3: {  	s6 =	smul.u32 $0xC80, s6;
	[tilespmem:s4+$0x13000] =	vst.add.f32.msk $0xffff, v2  }
0xb4: {  	[tilespmem:s4+$0x13010] =	vst.add.f32.msk $0xffff, v3  }
0xb5: {  	s18 =	sadd.s32 s5, s6;
	[tilespmem:s4+$0x13020] =	vst.add.f32.msk $0xffff, v4  }
0xb6: {  	[hbm4b:s18+s22] =	stream.strided.scatter [tilespmem:s24], [sflag:$0x8], $0x3200, s23, s22, $0x38;
	[tilespmem:$0x16200] =	vst v63  }
0xb7: {  	s10 =	sadd.s32 $0x1, s10  }
0xb8: {  	_ =	swait.ge [sflag:s0], $0x3200;
	p0 =	sne.s32 s10, s8  }
.Ltmp5:
0xb9: {  	[sflag:s0] =	ssyncset.done $0x0;
	(pc) =	sbr.rel @p0 .LBB2_1-.Ltmp5, $4  }
0xba: {  	[sflag:s0] =	ssyncadd.s32 $0xFFFFCE00  }
0xbb: {  	_ =	swait.ge [sflag:s1], $0x3200  }
0xbc: {  	[sflag:s1] =	ssyncset.done $0x0  }
0xbd: {  	[sflag:s1] =	ssyncadd.s32 $0xFFFFCE00  }
0xbe: {  	_ =	sfence.sel $0x180000  }
0xbf: {  	[bflag:$0x0] =	sbarrier.arrive $0xFFFF  }
0xc0: {  	_ =	strace $0x90000047  }
0xc1: {  	s0 =	stileid.u32;
	[bflag:$0x2] =	sbarrier.arrive $0xFFFF  }
0xc2: {  	p0 =	sne.s32 s0, $0x0;
	s0 =	rddreg [dreg:$0x2]  }
0xc3: {  	s0 =	sadd.s32 @!p0 $0x100000, s0  }
0xc4: {  	[sflag:s0] =	ssyncadd.tile.s32 @!p0 $0x1;
	_ =	shalt  }
.Lfunc_end2:
_tile_overlayer_lowered:
.L_overlay_start_2:
0xc5: {  	(tag) =	ssettag $0x2  }
0xc6: {  	s0 =	rddreg [dreg:$0x0];
	s2 =	stileid.u32  }
0xc7: {  	s1 =	rddreg [dreg:$0x1];
	p0 =	sne.s32 s2, $0x0  }
0xc8: {  	s3 =	rddreg [dreg:$0x2];
	[bflag:$0x3] =	sbarrier.arrive $0xFFFF;
	s2 =	simm.s32 @!p0 $0x1C09  }
0xc9: {  	[timem:s3], [sflag:s2] =	dma.local @!p0 [hbm:s0], s1  }
0xca: {  	s0 =	simm.s32 @!p0 $0x9  }
0xcb: {  	_ =	swait.ge @!p0 [sflag:s0], s1  }
0xcc: {  	s1 =	ssub.s32 @!p0 $0x0, s1;
	[sflag:s0] =	ssyncset.done @!p0 $0x0  }
0xcd: {  	[sflag:s0] =	ssyncadd.s32 @!p0 s1  }
0xce: {  	[bflag:$0x3] =	sbarrier.arrive $0xFFFF  }
0xcf: {  	_ =	shalt  }

// kernel: sparse-core-data-format-call.cloned.1.call-start
scs
called_computation_lowered:
.L_overlay_start_0:
0x0: {  	s2 =	sld [smem:$0x3FD9]  }
0x1: {  	s3 =	sld [smem:$0x3FFE];
	_ =	sdelay $0x1  }
0x2: {  	s1 =	srdreg.scid  }
0x3: {  	s0 =	sand.u32 $0x1, s1  }
0x4: {  	s18 =	sshll.u32 s0, $0xA;
	s2 =	sadd.s32 s3, s2  }
0x5: {  	s2 =	sadd.s32 s2, s18  }
0x6: {  	[smem:$0x3FC5] =	sst s2  }
0x7: {  	_ = 	snop  }
0x8: {  	s2 =	sld [smem:$0x3FD0];
	(tm) =	ssettm $0x1  }
0x9: {  	s19 =	sld [smem:$0x3FFB];
	_ =	sdelay $0x3  }
0xa: {  	_ =	strace s19  }
0xb: {  	s3 =	sld [smem:$0x3FFC];
	_ =	sdelay $0x3  }
0xc: {  	_ =	strace s3  }
0xd: {  	s3 =	sld [smem:$0x3FFD];
	_ =	sdelay $0x3  }
0xe: {  	_ =	strace s3  }
0xf: {  	_ =	strace $0x8FFFFFFF  }
0x10: {  	s20 =	sld [smem:$0x3FDB];
	_ =	sdelay $0x1  }
0x11: {  	s4 =	simm.s32 $_scs_section_size  }
0x12: {  	s5 =	simm.s32 $_size__tile_overlayer_lowered;
	s6 =	simm.s32 $_tile_overlayer_lowered  }
0x13: {  	s23 =	simm.s32 $0x1BFF;
	s22 =	sshll.u32 s6, $0x1;
	s3 =	sadd.s32 s4, s20  }
0x14: {  	s7 =	simm.s32 $0x0;
	s21 =	sshll.u32 s5, $0x1;
	s5 =	sadd.s32 s22, s3  }
0x15: {  	[timem:s7], [sflag:s23] =	dma.local [hbm:s5], s21  }
0x16: {  	_ =	swait.ge [sflag:s23], s21  }
0x17: {  	s4 =	ssub.s32 $0x0, s21;
	[sflag:s23] =	ssyncset.done $0x0  }
0x18: {  	[sflag:s23] =	ssyncadd.s32 s4;
	_ =	sdelay $0x1  }
0x19: {  	s24 =	simm.s32 $0x1B8B  }
0x1a: {  	_ =	swait.ge [sflag:s24], $0x1  }
0x1b: {  	[sflag:s24] =	ssyncset.done $0x0  }
0x1c: {  	s26 =	simm.s32 $0x1B8E;
	s25 =	sld [smem:$0x3FFE];
	[sflag:s24] =	ssyncadd.s32 $0xFFFFFFFF  }
0x1d: {  	s27 =	simm.s32 $execute0_lowered;
	[smem:$0x3FD2] =	sst s26  }
0x1e: {  	s5 =	sshll.u32 s27, $0x1;
	_ =	strace $0x80000049;
	[dreg:$0x1] =	wrdreg $0xFFFFFFFF  }
0x1f: {  	s28 =	simm.s32 $_size_execute0_lowered;
	s3 =	sadd.s32 s3, s5;
	[dreg:$0x0] =	wrdreg $0x0  }
0x20: {  	s5 =	sshll.u32 s28, $0x1;
	[dreg:$0x2] =	wrdreg s3  }
0x21: {  	[dreg:$0x3] =	wrdreg s5  }
0x22: {  	[dreg:$0x4] =	wrdreg $0xC0  }
0x23: {  	_ =	task [dreg:s7], $0x5FFFF  }
0x24: {  	[dreg:$0x1] =	wrdreg $0xFFFFFFFF  }
0x25: {  	[dreg:$0x0] =	wrdreg $0x60  }
0x26: {  	[dreg:$0x2] =	wrdreg s25  }
0x27: {  	[dreg:$0x3] =	wrdreg s2  }
0x28: {  	[dreg:$0x4] =	wrdreg $0x9  }
0x29: {  	_ =	task.clear_ibuf [dreg:s7], $0x5FFFF;
	_ =	strace $0x90000049  }
0x2a: {  	s29 =	simm.s32 $0x9;
	_ =	strace $0x8000004B  }
0x2b: {  	_ =	swait.ge [sflag:s29], $0x1  }
0x2c: {  	[sflag:s29] =	ssyncadd.s32 $0xFFFFFFFF  }
0x2d: {  	_ =	strace $0x9000004B  }
0x2e: {  	_ =	sfence  }
0x2f: {  	s30 =	sld [smem:$0x0];
	_ =	sdelay $0x2  }
0x30: {  	s31 =	sshll.u32 s1, $0xD;
	s1 =	sshrl.u32 s1, $0x2  }
0x31: {  	s3 =	sand.u32 $0x4000, s31;
	s1 =	sadd.s32 s1, s30  }
0x32: {  	s0 =	sor.u32 s3, s0;
	s1 =	sshll.u32 s1, $0x11  }
0x33: {  	s0 =	sor.u32 s1, s0  }
0x34: {  	s0 =	sadd.s32 $0x8F2B, s0  }
0x35: {  	[sflag:s0] =	ssyncadd.remote.s32 $0x1  }
0x36: {  	_ =	sfence.sel $0xFFFF  }
0x37: {  	[dreg:$0x0] =	wrdreg $0xFFFFFFFF;
	(pc) =	sbr.abs _section_cstart, $3  }
0x38: {  	[dreg:$0x1] =	wrdreg $0xFFFFFFFF  }
0x39: {  	_ =	task.clear_ibuf [dreg:s7], $0x2FFFF;
	_ =	strace $0x9FFFFFFF  }
0x3a: {  	(tm) =	ssettm $0x7FFFFFFF  }
0x3b: {  	_ =	shalt  }
tec
execute0_lowered:
.L_overlay_start_1:
0x0: {  	(tag) =	ssettag $0x1  }
0x1: {  	s0 =	srdreg.scid  }
0x2: {  	s1 =	sshll.u32 s0, $0x4  }
0x3: {  	s0 =	stileid.u32;
	s1 =	sand.u32 $0x10, s1  }
0x4: {  	s1 =	sor.u32 s0, s1  }
0x5: {  	s6 =	rddreg [dreg:$0x0];
	s4 =	simm.s32 $0x1;
	s2 =	sshll.u32 s1, $0x7  }
0x6: {  	s7 =	simm.s32 $0x2;
	s12 =	simm.s32 $0x0;
	s1 =	ssub.s32 $0x1000, s2  }
0x7: {  	s8 =	simm.s32 $0x8000;
	s13 =	simm.s32 $0x0;
	s3 =	sand.u32 $0xF80, s1  }
0x8: {  	s9 =	simm.s32 $0x0;
	s5 =	sshrl.u32 s1, $0xC;
	p0 =	sne.s32 s3, $0x0  }
.Ltmp0:
0x9: {  	s1 =	rddreg [dreg:$0x2];
	s4 =	simm.s32 @!p0 $0x0;
	(pc) =	sbr.rel .LBB1_1-.Ltmp0, $4  }
0xa: {  	s11 =	simm.s32 $0x0;
	s3 =	rddreg [dreg:$0x1];
	s5 =	sadd.s32 s4, s5  }
0xb: {  	_ =	strace $0x8000004A;
	s4 =	simm.s32 $0x1;
	s5 =	smul.u32 $0xC8, s5  }
0xc: {  	s6 =	sadd.s32 $0x1400, s6;
	s10 =	smov.u32 s2;
	[sflag:s4] =	ssyncpa.u1 $0x0  }
0xd: {  	p0 =	por $0x0, $0x0;
	[sflag:s7] =	ssyncpa.u1 $0x0;
	s7 =	sor.u32 $0x1, s5  }
.LBB1_4:
0xe: {  	s16 =	sshll.u32 s13, $0x3;
	s17 =	sand.u32 $0x78, s13  }
0xf: {  	s30 =	sand.u32 $0x7E00, s13;
	s12 =	sshll.u32 s12, $0xF;
	s16 =	sand.u32 $0xC00, s16  }
0x10: {  	[tilespmem:s15+$0x810 ss:$0x81] =	vst.msk $0xffff, v2;
	s31 =	sand.u32 $0x7, s13;
	s16 =	sor.u32 s17, s16;
	s17 =	sadd.s32 s3, s30  }
0x11: {  	[tilespmem:s15+$0x1020 ss:$0x81] =	vst.msk $0xffff, v0;
	s13 =	sshll.u32 s31, $0x12;
	s12 =	sadd.s32 s12, s17;
	s16 =	sshrl.u32 s16, $0x3  }
0x12: {  	[tilespmem:s15+$0x0 ss:$0x81] =	vst.msk $0xffff, v1;
	s13 =	sor.u32 $0x400, s13;
	s12 =	sadd.s32 s16, s12  }
0x13: {  	[hbm4b:s12+s13] =	stream.strided.scatter [tilespmem:s14], [sflag:$0x2], $0x2000, s8, s13, $0x20;
	[tilespmem:$0x8080] =	vst v63  }
.LBB1_5:
0x14: {  	s14 =	sadd.s32 $0x1, s9  }
0x15: {  	s12 =	sadd.s32 $0x1000, s10;
	s16 =	smov.u32 s10;
	p2 =	sgt.s32 s14, $0xC7  }
0x16: {  	s16 =	smov.u32 @p2 s12  }
0x17: {  	s14 =	simm.s32 @p2 $0x0;
	p2 =	sgt.s32 s16, $0xFFF  }
0x18: {  	s16 =	smov.u32 @p2 s2;
	p2 =	sne.s32 s11, s7  }
.Ltmp1:
0x19: {  	p1 =	slt.u32 s11, $0x2;
	(pc) =	sbr.rel @!p2 .LBB1_6-.Ltmp1, $4  }
0x1a: {  	s15 =	simm.s32 @!p1 $0x2  }
0x1b: {  	s13 =	smov.u32 s10;
	p0 =	por !p0, !p0;
	_ =	swait.ge @!p1 [sflag:s15], $0x2000  }
0x1c: {  	s12 =	smov.u32 s9;
	[sflag:s15] =	ssyncset.done @!p1 $0x0;
	s9 =	smov.u32 s14  }
0x1d: {  	s11 =	sadd.s32 $0x1, s11;
	[sflag:s15] =	ssyncadd.s32 @!p1 $0xFFFFE000;
	s10 =	smov.u32 s16  }
.LBB1_1:
0x1e: {  	p1 =	sge.u32 s11, s5  }
0x1f: {  	s14 =	sand.u32 @!p1 $0x1FFFFFF, s9  }
0x20: {  	s15 =	smulhi.u32 @!p1 $0x147AE15, s14;
	_ =	sdelay $0x1  }
0x21: {  	s15 =	smul.u32 @!p1 $0xC8, s15  }
0x22: {  	s16 =	sxor.u32 @!p1 $0xFFFFFFFF, s11;
	s17 =	smul.u32 @!p1 $0xC80, s10  }
0x23: {  	s31 =	sadd.s32 $0xFFFFFFFF, s11;
	s16 =	sshll.u32 @!p1 s16, $0xD;
	s14 =	ssub.s32 @!p1 s14, s15  }
0x24: {  	s15 =	sand.u32 @!p1 $0x2000, s16;
	s16 =	sadd.s32 @!p1 s6, s17;
	s14 =	sshll.u32 @!p1 s14, $0x4  }
0x25: {  	s17 =	simm.s32 @!p1 $0x6400;
	s14 =	sadd.s32 @!p1 s14, s16;
	s16 =	simm.s32 @!p1 $0x40  }
0x26: {  	[tilespmem:s15], [sflag:$0x1] =	stream.strided.gather @!p1 [hbm4b:s14+s16], $0x2000, s17, s16, $0x38;
	[tilespmem:$0x8080] =	vst v63  }
0x27: {  	p1 =	sge.u32 s31, s5  }
.Ltmp2:
0x28: {  	_ = 	snop;
	(pc) =	sbr.rel @p1 .LBB1_5-.Ltmp2, $1  }
0x29: {  	_ =	sdelay $0x3  }
0x2a: {  	s14 =	simm.s32 $0x1  }
0x2b: {  	_ =	swait.ge [sflag:s4], $0x2000;
	s14 =	simm.s32 @!p0 $0x0  }
0x2c: {  	[sflag:s4] =	ssyncset.done $0x0;
	s15 =	sshll.u32 s14, $0xD  }
0x2d: {  	[sflag:s4] =	ssyncadd.s32 $0xFFFFE000;
	s18 =	sor.u32 $0x20, s15  }
0x2e: {  	s14 =	smul.u32 $0x8100, s14;
	v3 =	vld [tilespmem:s18+$0x10]  }
0x2f: {  	s30 =	sand.u32 $0x1, s11;
	v2 =	vld [tilespmem:s18+$0xFFFFFFF0]  }
0x30: {  	s15 =	smul.u32 $0x8100, s30;
	s14 =	sshrl.u32 s14, $0x2;
	v0 =	vld [tilespmem:s18+$0x0]  }
0x31: {  	v1 =	vld [tilespmem:s18+$0xFFFFFFE0];
	s16 =	sor.u32 $0x4000, s14  }
0x32: {  	s31 =	sshrl.u32 s15, $0x2;
	s15 =	sadd.s32 $0x0, s16  }
0x33: {  	s17 =	simm.s32 $0x4;
	s18 =	sadd.s32 $0x40, s18;
	s14 =	sor.u32 $0x4000, s31;
	[tilespmem:s15+$0x1830 ss:$0x81] =	vst.msk $0xffff, v3  }
.LBB1_3:
0x34: {  	v3 =	vld [tilespmem:s18+$0x10];
	p1 =	sne.s32 s17, $0x1FC;
	[tilespmem:s15+$0x810 ss:$0x81] =	vst.msk $0xffff, v2;
	s19 =	smov.u32 s17;
	s17 =	sadd.s32 $0x4, s17  }
.Ltmp3:
0x35: {  	v2 =	vld [tilespmem:s18+$0xFFFFFFF0];
	[tilespmem:s15+$0x1020 ss:$0x81] =	vst.msk $0xffff, v0;
	(pc) =	sbr.rel @p1 .LBB1_3-.Ltmp3, $4  }
0x36: {  	v0 =	vld [tilespmem:s18+$0x0];
	[tilespmem:s15+$0x0 ss:$0x81] =	vst.msk $0xffff, v1  }
0x37: {  	s15 =	sshra.s32 s19, $0x2;
	v1 =	vld [tilespmem:s18+$0xFFFFFFE0]  }
0x38: {  	s15 =	sadd.s32 s15, s16  }
0x39: {  	s18 =	sadd.s32 $0x40, s18;
	[tilespmem:s15+$0x1830 ss:$0x81] =	vst.msk $0xffff, v3  }
.Ltmp4:
0x3a: {  	_ = 	snop;
	(pc) =	sbr.rel .LBB1_4-.Ltmp4, $1  }
0x3b: {  	_ =	sdelay $0x3  }
.LBB1_6:
0x3c: {  	_ =	sfence.sel $0x180000  }
0x3d: {  	s2 =	simm.s32 $0x1;
	[bflag:$0x0] =	sbarrier.arrive $0xFFFF  }
0x3e: {  	s31 =	simm.s32 $0x2;
	[sflag:s2] =	ssyncpa.u1 $0x1  }
0x3f: {  	[sflag:s31] =	ssyncpa.u1 $0x1  }
0x40: {  	p0 =	sne.s32 s0, $0x0;
	_ =	strace $0x9000004A  }
0x41: {  	s0 =	sadd.s32 @!p0 $0x100000, s1;
	[bflag:$0x2] =	sbarrier.arrive $0xFFFF  }
0x42: {  	[sflag:s0] =	ssyncadd.tile.s32 @!p0 $0x1;
	_ =	shalt  }
.Lfunc_end1:
_tile_overlayer_lowered:
.L_overlay_start_2:
0x43: {  	(tag) =	ssettag $0x2  }
0x44: {  	s0 =	rddreg [dreg:$0x0];
	s2 =	stileid.u32  }
0x45: {  	s1 =	rddreg [dreg:$0x1];
	p0 =	sne.s32 s2, $0x0  }
0x46: {  	s3 =	rddreg [dreg:$0x2];
	[bflag:$0x3] =	sbarrier.arrive $0xFFFF;
	s2 =	simm.s32 @!p0 $0x1C01  }
0x47: {  	[timem:s3], [sflag:s2] =	dma.local @!p0 [hbm:s0], s1  }
0x48: {  	s0 =	simm.s32 @!p0 $0x1  }
0x49: {  	_ =	swait.ge @!p0 [sflag:s0], s1  }
0x4a: {  	s1 =	ssub.s32 @!p0 $0x0, s1;
	[sflag:s0] =	ssyncset.done @!p0 $0x0  }
0x4b: {  	[sflag:s0] =	ssyncadd.s32 @!p0 s1  }
0x4c: {  	[bflag:$0x3] =	sbarrier.arrive $0xFFFF  }
0x4d: {  	_ =	shalt  }

</sc_bundles>
